<compile_context>
chip_gen: v7x
topology: tpu7x:2x2x1
jax: 0.10.2.dev20260603
libtpu: 0.0.44.dev20260713+nightly
codegen_flags: <defaults>
</compile_context>

<pallas_src>
import functools

import jax
import jax.numpy as jnp
from jax import lax
from jax.experimental import pallas as pl
from jax.experimental.pallas import tpu as pltpu
from jax.experimental.pallas import tpu_sc as plsc

NUM_EMBEDDINGS = 100000
EMBEDDING_DIM = 128

_INFO = plsc.get_sparse_core_info()
_NW = _INFO.num_cores * _INFO.num_subcores

_CHUNK = 128
_NBUF = 5
_LOOK = 3


def _embed_kernel(b_per_w, n_chunks, table_hbm, ids_hbm, out_hbm,
                  idx_v, rows_v, gsem, wsem):
    wid = lax.axis_index("s") * _INFO.num_cores + lax.axis_index("c")
    base = wid * b_per_w
    pltpu.sync_copy(ids_hbm.at[pl.ds(base, b_per_w)], idx_v)

    def g_copy(i, b):
        return pltpu.make_async_copy(
            table_hbm.at[idx_v.at[pl.ds(i * _CHUNK, _CHUNK)]],
            rows_v.at[b], gsem.at[b])

    def w_copy(i, b):
        return pltpu.make_async_copy(
            rows_v.at[b], out_hbm.at[pl.ds(base + i * _CHUNK, _CHUNK)],
            wsem.at[b])

    for b in range(_LOOK):
        g_copy(b, b).start()

    n_groups = n_chunks // _NBUF

    def group(g, _):
        i0 = g * _NBUF
        for b in range(_NBUF):
            i = i0 + b
            k = i + _LOOK
            kb = (b + _LOOK) % _NBUF

            def issue_next(kk):
                w_copy(kk - _NBUF, kb).wait()
                g_copy(kk, kb).start()

            def issue_first(kk):
                g_copy(kk, kb).start()

            if b + _LOOK < _NBUF:
                pl.when(g > 0)(lambda: issue_next(k))
                pl.when(g == 0)(lambda: issue_first(k))
            else:
                pl.when(g < n_groups - 1)(lambda: issue_next(k))
            g_copy(i, b).wait()
            w_copy(i, b).start()
        return 0

    lax.fori_loop(0, n_groups, group, 0)

    for b in range(_NBUF):
        w_copy(n_chunks - _NBUF + b, b).wait()


def kernel(input_ids, table):
    B = input_ids.shape[0] * input_ids.shape[1]
    assert B % (_NW * _CHUNK * _NBUF) == 0
    b_per_w = B // _NW
    n_chunks = b_per_w // _CHUNK
    ids_flat = input_ids.reshape(B).astype(jnp.int32)

    mesh = plsc.VectorSubcoreMesh(core_axis_name="c", subcore_axis_name="s")
    run = pl.kernel(
        functools.partial(_embed_kernel, b_per_w, n_chunks),
        mesh=mesh,
        out_type=jax.ShapeDtypeStruct((B, EMBEDDING_DIM), jnp.float32),
        scratch_types=[
            pltpu.VMEM((b_per_w,), jnp.int32),
            pltpu.VMEM((_NBUF, _CHUNK, EMBEDDING_DIM), jnp.float32),
            pltpu.SemaphoreType.DMA((_NBUF,)),
            pltpu.SemaphoreType.DMA((_NBUF,)),
        ],
    )
    out = run(table, ids_flat)
    return out.reshape(input_ids.shape[0], input_ids.shape[1], EMBEDDING_DIM)

# --- scband reference (transcript-rebuilt; emitter-appended) ---
"""Pipeline reference for scband-embedding-28509992911047 (READ-ONLY COPY).

The authoritative reference and input builder live on the scoring server;
editing this copy changes nothing except your own understanding.
"""

import jax, jax.numpy as jnp
import numpy as np

NUM_EMBEDDINGS = 100000
EMBEDDING_DIM = 128


def setup_inputs(seed: int = 0) -> dict:
    key = jax.random.key(seed)
    k_idx, k_tab = jax.random.split(key)
    input_ids = jax.random.randint(k_idx, (4096, 200), 0, NUM_EMBEDDINGS, dtype=jnp.int64 if jax.config.read('jax_enable_x64') else jnp.int32)
    table = jax.random.normal(k_tab, (NUM_EMBEDDINGS, EMBEDDING_DIM), dtype=jnp.float32) * 0.02
    return {"input_ids": input_ids, "table": table}


def reference(input_ids, table):
    # nn.Embedding forward: row gather from the embedding table
    return jnp.take(table, input_ids, axis=0)

if __name__ == "__main__":
    import jax
    _d = setup_inputs()
    print(jax.jit(kernel)(*tuple(_d.values())))

</pallas_src>

<mosaic_0001>
#map = affine_map<(d0, d1) -> (0, 0)>
#map1 = affine_map<(d0, d1) -> (0)>
module attributes {stable_mosaic.version = 14 : i64} {
  func.func @_embed_kernel(%arg0: i32, %arg1: i32, %arg2: memref<100000x128xf32, #tpu.memory_space<hbm>>, %arg3: memref<819200xi32, #tpu.memory_space<hbm>>, %arg4: memref<819200x128xf32, #tpu.memory_space<hbm>>, %arg5: memref<25600xi32, #tpu.memory_space<vmem>>, %arg6: memref<5x128x128xf32, #tpu.memory_space<vmem>>, %arg7: memref<5x!tpu.dma_semaphore, #tpu.memory_space<semaphore_mem>>, %arg8: memref<5x!tpu.dma_semaphore, #tpu.memory_space<semaphore_mem>>) attributes {dimension_semantics = [#tpu.dimension_semantics<core_parallel>, #tpu.dimension_semantics<subcore_parallel>], iteration_bounds = array<i64: 2, 16>, scalar_prefetch = 0 : i64, scratch_operands = 4 : i64, tpu.core_type = #tpu.core_type<sc_vector_subcore>, window_params = [{transform_indices = #map}, {transform_indices = #map1}, {transform_indices = #map}]} {
    %mul3A = arith.constant 2 : i32
    %mul3A_0 = arith.muli %arg1, %mul3A : i32
    %add3A = arith.addi %mul3A_0, %arg0 : i32
    %mul3A_1 = arith.constant 25600 : i32
    %mul3A_2 = arith.muli %add3A, %mul3A_1 : i32
    "tpu.region"() ({
      %run_scoped3A = tpu.sem_alloc : memref<!tpu.dma_semaphore, #tpu.memory_space<semaphore_mem>>
      %dma_start3A_136 = tpu.memref_slice %arg3[%mul3A_2] : memref<819200xi32, #tpu.memory_space<hbm>> -> memref<25600xi32, #tpu.memory_space<hbm>>
      %dma_start3A_137 = tpu.memref_slice %arg3[%mul3A_2] : memref<819200xi32, #tpu.memory_space<hbm>> -> memref<25600xi32, #tpu.memory_space<hbm>>
      tpu.enqueue_dma source(%dma_start3A_137 : memref<25600xi32, #tpu.memory_space<hbm>>) target(%arg5 : memref<25600xi32, #tpu.memory_space<vmem>>) target_semaphore(%run_scoped3A : memref<!tpu.dma_semaphore, #tpu.memory_space<semaphore_mem>>)
      %dma_wait3A_138 = tpu.memref_slice %arg3[%mul3A_2] : memref<819200xi32, #tpu.memory_space<hbm>> -> memref<25600xi32, #tpu.memory_space<hbm>>
      %dma_wait3A_139 = tpu.memref_slice %arg3[%mul3A_2] : memref<819200xi32, #tpu.memory_space<hbm>> -> memref<25600xi32, #tpu.memory_space<hbm>>
      tpu.wait_dma2 semaphore(%run_scoped3A : memref<!tpu.dma_semaphore, #tpu.memory_space<semaphore_mem>>) src(%dma_wait3A_139 : memref<25600xi32, #tpu.memory_space<hbm>>) dst(%arg5 : memref<25600xi32, #tpu.memory_space<vmem>>)
      tpu.yield
    }) : () -> ()
    %dma_start3A = arith.constant 0 : i32
    %dma_start3A_3 = arith.constant 0 : i32
    %dma_start3A_4 = arith.constant 0 : i32
    %dma_start3A_5 = arith.constant 0 : i32
    %dma_start3A_6 = tpu.memref_slice %arg6[%dma_start3A, %dma_start3A_4, %dma_start3A_5] : memref<5x128x128xf32, #tpu.memory_space<vmem>> -> memref<1x128x128xf32, #tpu.memory_space<vmem>>
    %dma_start3A_7 = tpu.memref_squeeze %dma_start3A_6 : memref<1x128x128xf32, #tpu.memory_space<vmem>> -> memref<128x128xf32, #tpu.memory_space<vmem>>
    %dma_start3A_8 = arith.constant 0 : i32
    %dma_start3A_9 = tpu.memref_slice %arg5[%dma_start3A_8] : memref<25600xi32, #tpu.memory_space<vmem>> -> memref<128xi32, #tpu.memory_space<vmem>>
    %dma_start3A_10 = arith.constant 0 : i32
    %dma_start3A_11 = arith.constant 0 : i32
    %dma_start3A_12 = tpu.memref_slice %arg2[%dma_start3A_10, %dma_start3A_11] : memref<100000x128xf32, #tpu.memory_space<hbm>> -> memref<100000x128xf32, #tpu.memory_space<hbm>>
    %dma_start3A_13 = tpu.memref_slice %arg7[%dma_start3A_3] : memref<5x!tpu.dma_semaphore, #tpu.memory_space<semaphore_mem>> -> memref<1x!tpu.dma_semaphore, #tpu.memory_space<semaphore_mem>>
    %dma_start3A_14 = tpu.memref_squeeze %dma_start3A_13 : memref<1x!tpu.dma_semaphore, #tpu.memory_space<semaphore_mem>> -> memref<!tpu.dma_semaphore, #tpu.memory_space<semaphore_mem>>
    tpu.enqueue_indirect_dma source(%dma_start3A_12 : memref<100000x128xf32, #tpu.memory_space<hbm>>) target(%dma_start3A_7 : memref<128x128xf32, #tpu.memory_space<vmem>>) offsets(%dma_start3A_9 : memref<128xi32, #tpu.memory_space<vmem>>) semaphore(%dma_start3A_14 : memref<!tpu.dma_semaphore, #tpu.memory_space<semaphore_mem>>)
    %dma_start3A_15 = arith.constant 1 : i32
    %dma_start3A_16 = arith.constant 1 : i32
    %dma_start3A_17 = arith.constant 0 : i32
    %dma_start3A_18 = arith.constant 0 : i32
    %dma_start3A_19 = tpu.memref_slice %arg6[%dma_start3A_15, %dma_start3A_17, %dma_start3A_18] : memref<5x128x128xf32, #tpu.memory_space<vmem>> -> memref<1x128x128xf32, #tpu.memory_space<vmem>>
    %dma_start3A_20 = tpu.memref_squeeze %dma_start3A_19 : memref<1x128x128xf32, #tpu.memory_space<vmem>> -> memref<128x128xf32, #tpu.memory_space<vmem>>
    %dma_start3A_21 = arith.constant 128 : i32
    %dma_start3A_22 = tpu.memref_slice %arg5[%dma_start3A_21] : memref<25600xi32, #tpu.memory_space<vmem>> -> memref<128xi32, #tpu.memory_space<vmem>>
    %dma_start3A_23 = arith.constant 0 : i32
    %dma_start3A_24 = arith.constant 0 : i32
    %dma_start3A_25 = tpu.memref_slice %arg2[%dma_start3A_23, %dma_start3A_24] : memref<100000x128xf32, #tpu.memory_space<hbm>> -> memref<100000x128xf32, #tpu.memory_space<hbm>>
    %dma_start3A_26 = tpu.memref_slice %arg7[%dma_start3A_16] : memref<5x!tpu.dma_semaphore, #tpu.memory_space<semaphore_mem>> -> memref<1x!tpu.dma_semaphore, #tpu.memory_space<semaphore_mem>>
    %dma_start3A_27 = tpu.memref_squeeze %dma_start3A_26 : memref<1x!tpu.dma_semaphore, #tpu.memory_space<semaphore_mem>> -> memref<!tpu.dma_semaphore, #tpu.memory_space<semaphore_mem>>
    tpu.enqueue_indirect_dma source(%dma_start3A_25 : memref<100000x128xf32, #tpu.memory_space<hbm>>) target(%dma_start3A_20 : memref<128x128xf32, #tpu.memory_space<vmem>>) offsets(%dma_start3A_22 : memref<128xi32, #tpu.memory_space<vmem>>) semaphore(%dma_start3A_27 : memref<!tpu.dma_semaphore, #tpu.memory_space<semaphore_mem>>)
    %dma_start3A_28 = arith.constant 2 : i32
    %dma_start3A_29 = arith.constant 2 : i32
    %dma_start3A_30 = arith.constant 0 : i32
    %dma_start3A_31 = arith.constant 0 : i32
    %dma_start3A_32 = tpu.memref_slice %arg6[%dma_start3A_28, %dma_start3A_30, %dma_start3A_31] : memref<5x128x128xf32, #tpu.memory_space<vmem>> -> memref<1x128x128xf32, #tpu.memory_space<vmem>>
    %dma_start3A_33 = tpu.memref_squeeze %dma_start3A_32 : memref<1x128x128xf32, #tpu.memory_space<vmem>> -> memref<128x128xf32, #tpu.memory_space<vmem>>
    %dma_start3A_34 = arith.constant 256 : i32
    %dma_start3A_35 = tpu.memref_slice %arg5[%dma_start3A_34] : memref<25600xi32, #tpu.memory_space<vmem>> -> memref<128xi32, #tpu.memory_space<vmem>>
    %dma_start3A_36 = arith.constant 0 : i32
    %dma_start3A_37 = arith.constant 0 : i32
    %dma_start3A_38 = tpu.memref_slice %arg2[%dma_start3A_36, %dma_start3A_37] : memref<100000x128xf32, #tpu.memory_space<hbm>> -> memref<100000x128xf32, #tpu.memory_space<hbm>>
    %dma_start3A_39 = tpu.memref_slice %arg7[%dma_start3A_29] : memref<5x!tpu.dma_semaphore, #tpu.memory_space<semaphore_mem>> -> memref<1x!tpu.dma_semaphore, #tpu.memory_space<semaphore_mem>>
    %dma_start3A_40 = tpu.memref_squeeze %dma_start3A_39 : memref<1x!tpu.dma_semaphore, #tpu.memory_space<semaphore_mem>> -> memref<!tpu.dma_semaphore, #tpu.memory_space<semaphore_mem>>
    tpu.enqueue_indirect_dma source(%dma_start3A_38 : memref<100000x128xf32, #tpu.memory_space<hbm>>) target(%dma_start3A_33 : memref<128x128xf32, #tpu.memory_space<vmem>>) offsets(%dma_start3A_35 : memref<128xi32, #tpu.memory_space<vmem>>) semaphore(%dma_start3A_40 : memref<!tpu.dma_semaphore, #tpu.memory_space<semaphore_mem>>)
    %scan3A = arith.constant 0 : i32
    %scan3A_41 = arith.constant 0 : i32
    %scan3A_42 = arith.constant 40 : i32
    %scan3A_43 = arith.addi %scan3A_41, %scan3A_42 : i32
    %scan3A_44 = arith.constant 1 : i32
    %scan3A_45 = scf.for %scan3A_136 = %scan3A_41 to %scan3A_43 step %scan3A_44 iter_args(%scan3A_137 = %scan3A) -> (i32)  : i32 {
      %mul3A_138 = arith.constant 5 : i32
      %mul3A_139 = arith.muli %scan3A_136, %mul3A_138 : i32
      %add3A_140 = arith.constant 0 : i32
      %add3A_141 = arith.addi %mul3A_139, %add3A_140 : i32
      %add3A_142 = arith.constant 3 : i32
      %add3A_143 = arith.addi %add3A_141, %add3A_142 : i32
      %gt3A = arith.constant 0 : i32
      %gt3A_144 = arith.cmpi sgt, %scan3A_136, %gt3A : i32
      %convert_element_type3A = arith.extui %gt3A_144 : i1 to i32
      %cond3A = arith.constant 0 : i32
      %cond3A_145 = arith.cmpi ne, %convert_element_type3A, %cond3A : i32
      scf.if %cond3A_145 {
        %sub3A = arith.constant 5 : i32
        %sub3A_356 = arith.subi %add3A_143, %sub3A : i32
        %mul3A_357 = arith.constant 128 : i32
        %mul3A_358 = arith.muli %sub3A_356, %mul3A_357 : i32
        %add3A_359 = arith.addi %mul3A_2, %mul3A_358 : i32
        %dma_wait3A_360 = arith.constant 3 : i32
        %dma_wait3A_361 = arith.constant 3 : i32
        %dma_wait3A_362 = arith.constant 0 : i32
        %dma_wait3A_363 = arith.constant 0 : i32
        %dma_wait3A_364 = tpu.memref_slice %arg6[%dma_wait3A_360, %dma_wait3A_362, %dma_wait3A_363] : memref<5x128x128xf32, #tpu.memory_space<vmem>> -> memref<1x128x128xf32, #tpu.memory_space<vmem>>
        %dma_wait3A_365 = tpu.memref_squeeze %dma_wait3A_364 : memref<1x128x128xf32, #tpu.memory_space<vmem>> -> memref<128x128xf32, #tpu.memory_space<vmem>>
        %dma_wait3A_366 = arith.constant 0 : i32
        %dma_wait3A_367 = tpu.memref_slice %arg4[%add3A_359, %dma_wait3A_366] : memref<819200x128xf32, #tpu.memory_space<hbm>> -> memref<128x128xf32, #tpu.memory_space<hbm>>
        %dma_wait3A_368 = tpu.memref_slice %arg8[%dma_wait3A_361] : memref<5x!tpu.dma_semaphore, #tpu.memory_space<semaphore_mem>> -> memref<1x!tpu.dma_semaphore, #tpu.memory_space<semaphore_mem>>
        %dma_wait3A_369 = tpu.memref_squeeze %dma_wait3A_368 : memref<1x!tpu.dma_semaphore, #tpu.memory_space<semaphore_mem>> -> memref<!tpu.dma_semaphore, #tpu.memory_space<semaphore_mem>>
        %dma_wait3A_370 = arith.constant 0 : i32
        %dma_wait3A_371 = tpu.memref_slice %arg4[%add3A_359, %dma_wait3A_370] : memref<819200x128xf32, #tpu.memory_space<hbm>> -> memref<128x128xf32, #tpu.memory_space<hbm>>
        %dma_wait3A_372 = arith.constant 0 : i32
        %dma_wait3A_373 = arith.constant 0 : i32
        %dma_wait3A_374 = tpu.memref_slice %arg6[%dma_wait3A_360, %dma_wait3A_372, %dma_wait3A_373] : memref<5x128x128xf32, #tpu.memory_space<vmem>> -> memref<1x128x128xf32, #tpu.memory_space<vmem>>
        %dma_wait3A_375 = tpu.memref_squeeze %dma_wait3A_374 : memref<1x128x128xf32, #tpu.memory_space<vmem>> -> memref<128x128xf32, #tpu.memory_space<vmem>>
        tpu.wait_dma2 semaphore(%dma_wait3A_369 : memref<!tpu.dma_semaphore, #tpu.memory_space<semaphore_mem>>) src(%dma_wait3A_375 : memref<128x128xf32, #tpu.memory_space<vmem>>) dst(%dma_wait3A_371 : memref<128x128xf32, #tpu.memory_space<hbm>>)
        %mul3A_376 = arith.constant 128 : i32
        %mul3A_377 = arith.muli %add3A_143, %mul3A_376 : i32
        %dma_start3A_378 = arith.constant 3 : i32
        %dma_start3A_379 = arith.constant 3 : i32
        %dma_start3A_380 = arith.constant 0 : i32
        %dma_start3A_381 = arith.constant 0 : i32
        %dma_start3A_382 = tpu.memref_slice %arg6[%dma_start3A_378, %dma_start3A_380, %dma_start3A_381] : memref<5x128x128xf32, #tpu.memory_space<vmem>> -> memref<1x128x128xf32, #tpu.memory_space<vmem>>
        %dma_start3A_383 = tpu.memref_squeeze %dma_start3A_382 : memref<1x128x128xf32, #tpu.memory_space<vmem>> -> memref<128x128xf32, #tpu.memory_space<vmem>>
        %dma_start3A_384 = tpu.memref_slice %arg5[%mul3A_377] : memref<25600xi32, #tpu.memory_space<vmem>> -> memref<128xi32, #tpu.memory_space<vmem>>
        %dma_start3A_385 = arith.constant 0 : i32
        %dma_start3A_386 = arith.constant 0 : i32
        %dma_start3A_387 = tpu.memref_slice %arg2[%dma_start3A_385, %dma_start3A_386] : memref<100000x128xf32, #tpu.memory_space<hbm>> -> memref<100000x128xf32, #tpu.memory_space<hbm>>
        %dma_start3A_388 = tpu.memref_slice %arg7[%dma_start3A_379] : memref<5x!tpu.dma_semaphore, #tpu.memory_space<semaphore_mem>> -> memref<1x!tpu.dma_semaphore, #tpu.memory_space<semaphore_mem>>
        %dma_start3A_389 = tpu.memref_squeeze %dma_start3A_388 : memref<1x!tpu.dma_semaphore, #tpu.memory_space<semaphore_mem>> -> memref<!tpu.dma_semaphore, #tpu.memory_space<semaphore_mem>>
        tpu.enqueue_indirect_dma source(%dma_start3A_387 : memref<100000x128xf32, #tpu.memory_space<hbm>>) target(%dma_start3A_383 : memref<128x128xf32, #tpu.memory_space<vmem>>) offsets(%dma_start3A_384 : memref<128xi32, #tpu.memory_space<vmem>>) semaphore(%dma_start3A_389 : memref<!tpu.dma_semaphore, #tpu.memory_space<semaphore_mem>>)
      } else {
      }
      %eq3A = arith.constant 0 : i32
      %eq3A_146 = arith.cmpi eq, %scan3A_136, %eq3A : i32
      %convert_element_type3A_147 = arith.extui %eq3A_146 : i1 to i32
      %cond3A_148 = arith.constant 0 : i32
      %cond3A_149 = arith.cmpi ne, %convert_element_type3A_147, %cond3A_148 : i32
      scf.if %cond3A_149 {
        %mul3A_356 = arith.constant 128 : i32
        %mul3A_357 = arith.muli %add3A_143, %mul3A_356 : i32
        %dma_start3A_358 = arith.constant 3 : i32
        %dma_start3A_359 = arith.constant 3 : i32
        %dma_start3A_360 = arith.constant 0 : i32
        %dma_start3A_361 = arith.constant 0 : i32
        %dma_start3A_362 = tpu.memref_slice %arg6[%dma_start3A_358, %dma_start3A_360, %dma_start3A_361] : memref<5x128x128xf32, #tpu.memory_space<vmem>> -> memref<1x128x128xf32, #tpu.memory_space<vmem>>
        %dma_start3A_363 = tpu.memref_squeeze %dma_start3A_362 : memref<1x128x128xf32, #tpu.memory_space<vmem>> -> memref<128x128xf32, #tpu.memory_space<vmem>>
        %dma_start3A_364 = tpu.memref_slice %arg5[%mul3A_357] : memref<25600xi32, #tpu.memory_space<vmem>> -> memref<128xi32, #tpu.memory_space<vmem>>
        %dma_start3A_365 = arith.constant 0 : i32
        %dma_start3A_366 = arith.constant 0 : i32
        %dma_start3A_367 = tpu.memref_slice %arg2[%dma_start3A_365, %dma_start3A_366] : memref<100000x128xf32, #tpu.memory_space<hbm>> -> memref<100000x128xf32, #tpu.memory_space<hbm>>
        %dma_start3A_368 = tpu.memref_slice %arg7[%dma_start3A_359] : memref<5x!tpu.dma_semaphore, #tpu.memory_space<semaphore_mem>> -> memref<1x!tpu.dma_semaphore, #tpu.memory_space<semaphore_mem>>
        %dma_start3A_369 = tpu.memref_squeeze %dma_start3A_368 : memref<1x!tpu.dma_semaphore, #tpu.memory_space<semaphore_mem>> -> memref<!tpu.dma_semaphore, #tpu.memory_space<semaphore_mem>>
        tpu.enqueue_indirect_dma source(%dma_start3A_367 : memref<100000x128xf32, #tpu.memory_space<hbm>>) target(%dma_start3A_363 : memref<128x128xf32, #tpu.memory_space<vmem>>) offsets(%dma_start3A_364 : memref<128xi32, #tpu.memory_space<vmem>>) semaphore(%dma_start3A_369 : memref<!tpu.dma_semaphore, #tpu.memory_space<semaphore_mem>>)
      } else {
      }
      %mul3A_150 = arith.constant 128 : i32
      %mul3A_151 = arith.muli %add3A_141, %mul3A_150 : i32
      %dma_wait3A_152 = arith.constant 0 : i32
      %dma_wait3A_153 = arith.constant 0 : i32
      %dma_wait3A_154 = arith.constant 0 : i32
      %dma_wait3A_155 = arith.constant 0 : i32
      %dma_wait3A_156 = tpu.memref_slice %arg6[%dma_wait3A_152, %dma_wait3A_154, %dma_wait3A_155] : memref<5x128x128xf32, #tpu.memory_space<vmem>> -> memref<1x128x128xf32, #tpu.memory_space<vmem>>
      %dma_wait3A_157 = tpu.memref_squeeze %dma_wait3A_156 : memref<1x128x128xf32, #tpu.memory_space<vmem>> -> memref<128x128xf32, #tpu.memory_space<vmem>>
      %dma_wait3A_158 = tpu.memref_slice %arg5[%mul3A_151] : memref<25600xi32, #tpu.memory_space<vmem>> -> memref<128xi32, #tpu.memory_space<vmem>>
      %dma_wait3A_159 = arith.constant 0 : i32
      %dma_wait3A_160 = arith.constant 0 : i32
      %dma_wait3A_161 = tpu.memref_slice %arg2[%dma_wait3A_159, %dma_wait3A_160] : memref<100000x128xf32, #tpu.memory_space<hbm>> -> memref<100000x128xf32, #tpu.memory_space<hbm>>
      %dma_wait3A_162 = tpu.memref_slice %arg7[%dma_wait3A_153] : memref<5x!tpu.dma_semaphore, #tpu.memory_space<semaphore_mem>> -> memref<1x!tpu.dma_semaphore, #tpu.memory_space<semaphore_mem>>
      %dma_wait3A_163 = tpu.memref_squeeze %dma_wait3A_162 : memref<1x!tpu.dma_semaphore, #tpu.memory_space<semaphore_mem>> -> memref<!tpu.dma_semaphore, #tpu.memory_space<semaphore_mem>>
      tpu.wait_indirect_dma semaphore(%dma_wait3A_163 : memref<!tpu.dma_semaphore, #tpu.memory_space<semaphore_mem>>) src(%dma_wait3A_161 : memref<100000x128xf32, #tpu.memory_space<hbm>>) dst(%dma_wait3A_157 : memref<128x128xf32, #tpu.memory_space<vmem>>)
      %mul3A_164 = arith.constant 128 : i32
      %mul3A_165 = arith.muli %add3A_141, %mul3A_164 : i32
      %add3A_166 = arith.addi %mul3A_2, %mul3A_165 : i32
      %dma_start3A_167 = arith.constant 0 : i32
      %dma_start3A_168 = arith.constant 0 : i32
      %dma_start3A_169 = arith.constant 0 : i32
      %dma_start3A_170 = arith.constant 0 : i32
      %dma_start3A_171 = tpu.memref_slice %arg6[%dma_start3A_167, %dma_start3A_169, %dma_start3A_170] : memref<5x128x128xf32, #tpu.memory_space<vmem>> -> memref<1x128x128xf32, #tpu.memory_space<vmem>>
      %dma_start3A_172 = tpu.memref_squeeze %dma_start3A_171 : memref<1x128x128xf32, #tpu.memory_space<vmem>> -> memref<128x128xf32, #tpu.memory_space<vmem>>
      %dma_start3A_173 = arith.constant 0 : i32
      %dma_start3A_174 = tpu.memref_slice %arg4[%add3A_166, %dma_start3A_173] : memref<819200x128xf32, #tpu.memory_space<hbm>> -> memref<128x128xf32, #tpu.memory_space<hbm>>
      %dma_start3A_175 = tpu.memref_slice %arg8[%dma_start3A_168] : memref<5x!tpu.dma_semaphore, #tpu.memory_space<semaphore_mem>> -> memref<1x!tpu.dma_semaphore, #tpu.memory_space<semaphore_mem>>
      %dma_start3A_176 = tpu.memref_squeeze %dma_start3A_175 : memref<1x!tpu.dma_semaphore, #tpu.memory_space<semaphore_mem>> -> memref<!tpu.dma_semaphore, #tpu.memory_space<semaphore_mem>>
      %dma_start3A_177 = arith.constant 0 : i32
      %dma_start3A_178 = tpu.memref_slice %arg4[%add3A_166, %dma_start3A_177] : memref<819200x128xf32, #tpu.memory_space<hbm>> -> memref<128x128xf32, #tpu.memory_space<hbm>>
      %dma_start3A_179 = arith.constant 0 : i32
      %dma_start3A_180 = arith.constant 0 : i32
      %dma_start3A_181 = tpu.memref_slice %arg6[%dma_start3A_167, %dma_start3A_179, %dma_start3A_180] : memref<5x128x128xf32, #tpu.memory_space<vmem>> -> memref<1x128x128xf32, #tpu.memory_space<vmem>>
      %dma_start3A_182 = tpu.memref_squeeze %dma_start3A_181 : memref<1x128x128xf32, #tpu.memory_space<vmem>> -> memref<128x128xf32, #tpu.memory_space<vmem>>
      tpu.enqueue_dma source(%dma_start3A_182 : memref<128x128xf32, #tpu.memory_space<vmem>>) target(%dma_start3A_178 : memref<128x128xf32, #tpu.memory_space<hbm>>) target_semaphore(%dma_start3A_176 : memref<!tpu.dma_semaphore, #tpu.memory_space<semaphore_mem>>)
      %add3A_183 = arith.constant 1 : i32
      %add3A_184 = arith.addi %mul3A_139, %add3A_183 : i32
      %add3A_185 = arith.constant 3 : i32
      %add3A_186 = arith.addi %add3A_184, %add3A_185 : i32
      %gt3A_187 = arith.constant 0 : i32
      %gt3A_188 = arith.cmpi sgt, %scan3A_136, %gt3A_187 : i32
      %convert_element_type3A_189 = arith.extui %gt3A_188 : i1 to i32
      %cond3A_190 = arith.constant 0 : i32
      %cond3A_191 = arith.cmpi ne, %convert_element_type3A_189, %cond3A_190 : i32
      scf.if %cond3A_191 {
        %sub3A = arith.constant 5 : i32
        %sub3A_356 = arith.subi %add3A_186, %sub3A : i32
        %mul3A_357 = arith.constant 128 : i32
        %mul3A_358 = arith.muli %sub3A_356, %mul3A_357 : i32
        %add3A_359 = arith.addi %mul3A_2, %mul3A_358 : i32
        %dma_wait3A_360 = arith.constant 4 : i32
        %dma_wait3A_361 = arith.constant 4 : i32
        %dma_wait3A_362 = arith.constant 0 : i32
        %dma_wait3A_363 = arith.constant 0 : i32
        %dma_wait3A_364 = tpu.memref_slice %arg6[%dma_wait3A_360, %dma_wait3A_362, %dma_wait3A_363] : memref<5x128x128xf32, #tpu.memory_space<vmem>> -> memref<1x128x128xf32, #tpu.memory_space<vmem>>
        %dma_wait3A_365 = tpu.memref_squeeze %dma_wait3A_364 : memref<1x128x128xf32, #tpu.memory_space<vmem>> -> memref<128x128xf32, #tpu.memory_space<vmem>>
        %dma_wait3A_366 = arith.constant 0 : i32
        %dma_wait3A_367 = tpu.memref_slice %arg4[%add3A_359, %dma_wait3A_366] : memref<819200x128xf32, #tpu.memory_space<hbm>> -> memref<128x128xf32, #tpu.memory_space<hbm>>
        %dma_wait3A_368 = tpu.memref_slice %arg8[%dma_wait3A_361] : memref<5x!tpu.dma_semaphore, #tpu.memory_space<semaphore_mem>> -> memref<1x!tpu.dma_semaphore, #tpu.memory_space<semaphore_mem>>
        %dma_wait3A_369 = tpu.memref_squeeze %dma_wait3A_368 : memref<1x!tpu.dma_semaphore, #tpu.memory_space<semaphore_mem>> -> memref<!tpu.dma_semaphore, #tpu.memory_space<semaphore_mem>>
        %dma_wait3A_370 = arith.constant 0 : i32
        %dma_wait3A_371 = tpu.memref_slice %arg4[%add3A_359, %dma_wait3A_370] : memref<819200x128xf32, #tpu.memory_space<hbm>> -> memref<128x128xf32, #tpu.memory_space<hbm>>
        %dma_wait3A_372 = arith.constant 0 : i32
        %dma_wait3A_373 = arith.constant 0 : i32
        %dma_wait3A_374 = tpu.memref_slice %arg6[%dma_wait3A_360, %dma_wait3A_372, %dma_wait3A_373] : memref<5x128x128xf32, #tpu.memory_space<vmem>> -> memref<1x128x128xf32, #tpu.memory_space<vmem>>
        %dma_wait3A_375 = tpu.memref_squeeze %dma_wait3A_374 : memref<1x128x128xf32, #tpu.memory_space<vmem>> -> memref<128x128xf32, #tpu.memory_space<vmem>>
        tpu.wait_dma2 semaphore(%dma_wait3A_369 : memref<!tpu.dma_semaphore, #tpu.memory_space<semaphore_mem>>) src(%dma_wait3A_375 : memref<128x128xf32, #tpu.memory_space<vmem>>) dst(%dma_wait3A_371 : memref<128x128xf32, #tpu.memory_space<hbm>>)
        %mul3A_376 = arith.constant 128 : i32
        %mul3A_377 = arith.muli %add3A_186, %mul3A_376 : i32
        %dma_start3A_378 = arith.constant 4 : i32
        %dma_start3A_379 = arith.constant 4 : i32
        %dma_start3A_380 = arith.constant 0 : i32
        %dma_start3A_381 = arith.constant 0 : i32
        %dma_start3A_382 = tpu.memref_slice %arg6[%dma_start3A_378, %dma_start3A_380, %dma_start3A_381] : memref<5x128x128xf32, #tpu.memory_space<vmem>> -> memref<1x128x128xf32, #tpu.memory_space<vmem>>
        %dma_start3A_383 = tpu.memref_squeeze %dma_start3A_382 : memref<1x128x128xf32, #tpu.memory_space<vmem>> -> memref<128x128xf32, #tpu.memory_space<vmem>>
        %dma_start3A_384 = tpu.memref_slice %arg5[%mul3A_377] : memref<25600xi32, #tpu.memory_space<vmem>> -> memref<128xi32, #tpu.memory_space<vmem>>
        %dma_start3A_385 = arith.constant 0 : i32
        %dma_start3A_386 = arith.constant 0 : i32
        %dma_start3A_387 = tpu.memref_slice %arg2[%dma_start3A_385, %dma_start3A_386] : memref<100000x128xf32, #tpu.memory_space<hbm>> -> memref<100000x128xf32, #tpu.memory_space<hbm>>
        %dma_start3A_388 = tpu.memref_slice %arg7[%dma_start3A_379] : memref<5x!tpu.dma_semaphore, #tpu.memory_space<semaphore_mem>> -> memref<1x!tpu.dma_semaphore, #tpu.memory_space<semaphore_mem>>
        %dma_start3A_389 = tpu.memref_squeeze %dma_start3A_388 : memref<1x!tpu.dma_semaphore, #tpu.memory_space<semaphore_mem>> -> memref<!tpu.dma_semaphore, #tpu.memory_space<semaphore_mem>>
        tpu.enqueue_indirect_dma source(%dma_start3A_387 : memref<100000x128xf32, #tpu.memory_space<hbm>>) target(%dma_start3A_383 : memref<128x128xf32, #tpu.memory_space<vmem>>) offsets(%dma_start3A_384 : memref<128xi32, #tpu.memory_space<vmem>>) semaphore(%dma_start3A_389 : memref<!tpu.dma_semaphore, #tpu.memory_space<semaphore_mem>>)
      } else {
      }
      %eq3A_192 = arith.constant 0 : i32
      %eq3A_193 = arith.cmpi eq, %scan3A_136, %eq3A_192 : i32
      %convert_element_type3A_194 = arith.extui %eq3A_193 : i1 to i32
      %cond3A_195 = arith.constant 0 : i32
      %cond3A_196 = arith.cmpi ne, %convert_element_type3A_194, %cond3A_195 : i32
      scf.if %cond3A_196 {
        %mul3A_356 = arith.constant 128 : i32
        %mul3A_357 = arith.muli %add3A_186, %mul3A_356 : i32
        %dma_start3A_358 = arith.constant 4 : i32
        %dma_start3A_359 = arith.constant 4 : i32
        %dma_start3A_360 = arith.constant 0 : i32
        %dma_start3A_361 = arith.constant 0 : i32
        %dma_start3A_362 = tpu.memref_slice %arg6[%dma_start3A_358, %dma_start3A_360, %dma_start3A_361] : memref<5x128x128xf32, #tpu.memory_space<vmem>> -> memref<1x128x128xf32, #tpu.memory_space<vmem>>
        %dma_start3A_363 = tpu.memref_squeeze %dma_start3A_362 : memref<1x128x128xf32, #tpu.memory_space<vmem>> -> memref<128x128xf32, #tpu.memory_space<vmem>>
        %dma_start3A_364 = tpu.memref_slice %arg5[%mul3A_357] : memref<25600xi32, #tpu.memory_space<vmem>> -> memref<128xi32, #tpu.memory_space<vmem>>
        %dma_start3A_365 = arith.constant 0 : i32
        %dma_start3A_366 = arith.constant 0 : i32
        %dma_start3A_367 = tpu.memref_slice %arg2[%dma_start3A_365, %dma_start3A_366] : memref<100000x128xf32, #tpu.memory_space<hbm>> -> memref<100000x128xf32, #tpu.memory_space<hbm>>
        %dma_start3A_368 = tpu.memref_slice %arg7[%dma_start3A_359] : memref<5x!tpu.dma_semaphore, #tpu.memory_space<semaphore_mem>> -> memref<1x!tpu.dma_semaphore, #tpu.memory_space<semaphore_mem>>
        %dma_start3A_369 = tpu.memref_squeeze %dma_start3A_368 : memref<1x!tpu.dma_semaphore, #tpu.memory_space<semaphore_mem>> -> memref<!tpu.dma_semaphore, #tpu.memory_space<semaphore_mem>>
        tpu.enqueue_indirect_dma source(%dma_start3A_367 : memref<100000x128xf32, #tpu.memory_space<hbm>>) target(%dma_start3A_363 : memref<128x128xf32, #tpu.memory_space<vmem>>) offsets(%dma_start3A_364 : memref<128xi32, #tpu.memory_space<vmem>>) semaphore(%dma_start3A_369 : memref<!tpu.dma_semaphore, #tpu.memory_space<semaphore_mem>>)
      } else {
      }
      %mul3A_197 = arith.constant 128 : i32
      %mul3A_198 = arith.muli %add3A_184, %mul3A_197 : i32
      %dma_wait3A_199 = arith.constant 1 : i32
      %dma_wait3A_200 = arith.constant 1 : i32
      %dma_wait3A_201 = arith.constant 0 : i32
      %dma_wait3A_202 = arith.constant 0 : i32
      %dma_wait3A_203 = tpu.memref_slice %arg6[%dma_wait3A_199, %dma_wait3A_201, %dma_wait3A_202] : memref<5x128x128xf32, #tpu.memory_space<vmem>> -> memref<1x128x128xf32, #tpu.memory_space<vmem>>
      %dma_wait3A_204 = tpu.memref_squeeze %dma_wait3A_203 : memref<1x128x128xf32, #tpu.memory_space<vmem>> -> memref<128x128xf32, #tpu.memory_space<vmem>>
      %dma_wait3A_205 = tpu.memref_slice %arg5[%mul3A_198] : memref<25600xi32, #tpu.memory_space<vmem>> -> memref<128xi32, #tpu.memory_space<vmem>>
      %dma_wait3A_206 = arith.constant 0 : i32
      %dma_wait3A_207 = arith.constant 0 : i32
      %dma_wait3A_208 = tpu.memref_slice %arg2[%dma_wait3A_206, %dma_wait3A_207] : memref<100000x128xf32, #tpu.memory_space<hbm>> -> memref<100000x128xf32, #tpu.memory_space<hbm>>
      %dma_wait3A_209 = tpu.memref_slice %arg7[%dma_wait3A_200] : memref<5x!tpu.dma_semaphore, #tpu.memory_space<semaphore_mem>> -> memref<1x!tpu.dma_semaphore, #tpu.memory_space<semaphore_mem>>
      %dma_wait3A_210 = tpu.memref_squeeze %dma_wait3A_209 : memref<1x!tpu.dma_semaphore, #tpu.memory_space<semaphore_mem>> -> memref<!tpu.dma_semaphore, #tpu.memory_space<semaphore_mem>>
      tpu.wait_indirect_dma semaphore(%dma_wait3A_210 : memref<!tpu.dma_semaphore, #tpu.memory_space<semaphore_mem>>) src(%dma_wait3A_208 : memref<100000x128xf32, #tpu.memory_space<hbm>>) dst(%dma_wait3A_204 : memref<128x128xf32, #tpu.memory_space<vmem>>)
      %mul3A_211 = arith.constant 128 : i32
      %mul3A_212 = arith.muli %add3A_184, %mul3A_211 : i32
      %add3A_213 = arith.addi %mul3A_2, %mul3A_212 : i32
      %dma_start3A_214 = arith.constant 1 : i32
      %dma_start3A_215 = arith.constant 1 : i32
      %dma_start3A_216 = arith.constant 0 : i32
      %dma_start3A_217 = arith.constant 0 : i32
      %dma_start3A_218 = tpu.memref_slice %arg6[%dma_start3A_214, %dma_start3A_216, %dma_start3A_217] : memref<5x128x128xf32, #tpu.memory_space<vmem>> -> memref<1x128x128xf32, #tpu.memory_space<vmem>>
      %dma_start3A_219 = tpu.memref_squeeze %dma_start3A_218 : memref<1x128x128xf32, #tpu.memory_space<vmem>> -> memref<128x128xf32, #tpu.memory_space<vmem>>
      %dma_start3A_220 = arith.constant 0 : i32
      %dma_start3A_221 = tpu.memref_slice %arg4[%add3A_213, %dma_start3A_220] : memref<819200x128xf32, #tpu.memory_space<hbm>> -> memref<128x128xf32, #tpu.memory_space<hbm>>
      %dma_start3A_222 = tpu.memref_slice %arg8[%dma_start3A_215] : memref<5x!tpu.dma_semaphore, #tpu.memory_space<semaphore_mem>> -> memref<1x!tpu.dma_semaphore, #tpu.memory_space<semaphore_mem>>
      %dma_start3A_223 = tpu.memref_squeeze %dma_start3A_222 : memref<1x!tpu.dma_semaphore, #tpu.memory_space<semaphore_mem>> -> memref<!tpu.dma_semaphore, #tpu.memory_space<semaphore_mem>>
      %dma_start3A_224 = arith.constant 0 : i32
      %dma_start3A_225 = tpu.memref_slice %arg4[%add3A_213, %dma_start3A_224] : memref<819200x128xf32, #tpu.memory_space<hbm>> -> memref<128x128xf32, #tpu.memory_space<hbm>>
      %dma_start3A_226 = arith.constant 0 : i32
      %dma_start3A_227 = arith.constant 0 : i32
      %dma_start3A_228 = tpu.memref_slice %arg6[%dma_start3A_214, %dma_start3A_226, %dma_start3A_227] : memref<5x128x128xf32, #tpu.memory_space<vmem>> -> memref<1x128x128xf32, #tpu.memory_space<vmem>>
      %dma_start3A_229 = tpu.memref_squeeze %dma_start3A_228 : memref<1x128x128xf32, #tpu.memory_space<vmem>> -> memref<128x128xf32, #tpu.memory_space<vmem>>
      tpu.enqueue_dma source(%dma_start3A_229 : memref<128x128xf32, #tpu.memory_space<vmem>>) target(%dma_start3A_225 : memref<128x128xf32, #tpu.memory_space<hbm>>) target_semaphore(%dma_start3A_223 : memref<!tpu.dma_semaphore, #tpu.memory_space<semaphore_mem>>)
      %add3A_230 = arith.constant 2 : i32
      %add3A_231 = arith.addi %mul3A_139, %add3A_230 : i32
      %add3A_232 = arith.constant 3 : i32
      %add3A_233 = arith.addi %add3A_231, %add3A_232 : i32
      %lt3A = arith.constant 39 : i32
      %lt3A_234 = arith.cmpi slt, %scan3A_136, %lt3A : i32
      %convert_element_type3A_235 = arith.extui %lt3A_234 : i1 to i32
      %cond3A_236 = arith.constant 0 : i32
      %cond3A_237 = arith.cmpi ne, %convert_element_type3A_235, %cond3A_236 : i32
      scf.if %cond3A_237 {
        %sub3A = arith.constant 5 : i32
        %sub3A_356 = arith.subi %add3A_233, %sub3A : i32
        %mul3A_357 = arith.constant 128 : i32
        %mul3A_358 = arith.muli %sub3A_356, %mul3A_357 : i32
        %add3A_359 = arith.addi %mul3A_2, %mul3A_358 : i32
        %dma_wait3A_360 = arith.constant 0 : i32
        %dma_wait3A_361 = arith.constant 0 : i32
        %dma_wait3A_362 = arith.constant 0 : i32
        %dma_wait3A_363 = arith.constant 0 : i32
        %dma_wait3A_364 = tpu.memref_slice %arg6[%dma_wait3A_360, %dma_wait3A_362, %dma_wait3A_363] : memref<5x128x128xf32, #tpu.memory_space<vmem>> -> memref<1x128x128xf32, #tpu.memory_space<vmem>>
        %dma_wait3A_365 = tpu.memref_squeeze %dma_wait3A_364 : memref<1x128x128xf32, #tpu.memory_space<vmem>> -> memref<128x128xf32, #tpu.memory_space<vmem>>
        %dma_wait3A_366 = arith.constant 0 : i32
        %dma_wait3A_367 = tpu.memref_slice %arg4[%add3A_359, %dma_wait3A_366] : memref<819200x128xf32, #tpu.memory_space<hbm>> -> memref<128x128xf32, #tpu.memory_space<hbm>>
        %dma_wait3A_368 = tpu.memref_slice %arg8[%dma_wait3A_361] : memref<5x!tpu.dma_semaphore, #tpu.memory_space<semaphore_mem>> -> memref<1x!tpu.dma_semaphore, #tpu.memory_space<semaphore_mem>>
        %dma_wait3A_369 = tpu.memref_squeeze %dma_wait3A_368 : memref<1x!tpu.dma_semaphore, #tpu.memory_space<semaphore_mem>> -> memref<!tpu.dma_semaphore, #tpu.memory_space<semaphore_mem>>
        %dma_wait3A_370 = arith.constant 0 : i32
        %dma_wait3A_371 = tpu.memref_slice %arg4[%add3A_359, %dma_wait3A_370] : memref<819200x128xf32, #tpu.memory_space<hbm>> -> memref<128x128xf32, #tpu.memory_space<hbm>>
        %dma_wait3A_372 = arith.constant 0 : i32
        %dma_wait3A_373 = arith.constant 0 : i32
        %dma_wait3A_374 = tpu.memref_slice %arg6[%dma_wait3A_360, %dma_wait3A_372, %dma_wait3A_373] : memref<5x128x128xf32, #tpu.memory_space<vmem>> -> memref<1x128x128xf32, #tpu.memory_space<vmem>>
        %dma_wait3A_375 = tpu.memref_squeeze %dma_wait3A_374 : memref<1x128x128xf32, #tpu.memory_space<vmem>> -> memref<128x128xf32, #tpu.memory_space<vmem>>
        tpu.wait_dma2 semaphore(%dma_wait3A_369 : memref<!tpu.dma_semaphore, #tpu.memory_space<semaphore_mem>>) src(%dma_wait3A_375 : memref<128x128xf32, #tpu.memory_space<vmem>>) dst(%dma_wait3A_371 : memref<128x128xf32, #tpu.memory_space<hbm>>)
        %mul3A_376 = arith.constant 128 : i32
        %mul3A_377 = arith.muli %add3A_233, %mul3A_376 : i32
        %dma_start3A_378 = arith.constant 0 : i32
        %dma_start3A_379 = arith.constant 0 : i32
        %dma_start3A_380 = arith.constant 0 : i32
        %dma_start3A_381 = arith.constant 0 : i32
        %dma_start3A_382 = tpu.memref_slice %arg6[%dma_start3A_378, %dma_start3A_380, %dma_start3A_381] : memref<5x128x128xf32, #tpu.memory_space<vmem>> -> memref<1x128x128xf32, #tpu.memory_space<vmem>>
        %dma_start3A_383 = tpu.memref_squeeze %dma_start3A_382 : memref<1x128x128xf32, #tpu.memory_space<vmem>> -> memref<128x128xf32, #tpu.memory_space<vmem>>
        %dma_start3A_384 = tpu.memref_slice %arg5[%mul3A_377] : memref<25600xi32, #tpu.memory_space<vmem>> -> memref<128xi32, #tpu.memory_space<vmem>>
        %dma_start3A_385 = arith.constant 0 : i32
        %dma_start3A_386 = arith.constant 0 : i32
        %dma_start3A_387 = tpu.memref_slice %arg2[%dma_start3A_385, %dma_start3A_386] : memref<100000x128xf32, #tpu.memory_space<hbm>> -> memref<100000x128xf32, #tpu.memory_space<hbm>>
        %dma_start3A_388 = tpu.memref_slice %arg7[%dma_start3A_379] : memref<5x!tpu.dma_semaphore, #tpu.memory_space<semaphore_mem>> -> memref<1x!tpu.dma_semaphore, #tpu.memory_space<semaphore_mem>>
        %dma_start3A_389 = tpu.memref_squeeze %dma_start3A_388 : memref<1x!tpu.dma_semaphore, #tpu.memory_space<semaphore_mem>> -> memref<!tpu.dma_semaphore, #tpu.memory_space<semaphore_mem>>
        tpu.enqueue_indirect_dma source(%dma_start3A_387 : memref<100000x128xf32, #tpu.memory_space<hbm>>) target(%dma_start3A_383 : memref<128x128xf32, #tpu.memory_space<vmem>>) offsets(%dma_start3A_384 : memref<128xi32, #tpu.memory_space<vmem>>) semaphore(%dma_start3A_389 : memref<!tpu.dma_semaphore, #tpu.memory_space<semaphore_mem>>)
      } else {
      }
      %mul3A_238 = arith.constant 128 : i32
      %mul3A_239 = arith.muli %add3A_231, %mul3A_238 : i32
      %dma_wait3A_240 = arith.constant 2 : i32
      %dma_wait3A_241 = arith.constant 2 : i32
      %dma_wait3A_242 = arith.constant 0 : i32
      %dma_wait3A_243 = arith.constant 0 : i32
      %dma_wait3A_244 = tpu.memref_slice %arg6[%dma_wait3A_240, %dma_wait3A_242, %dma_wait3A_243] : memref<5x128x128xf32, #tpu.memory_space<vmem>> -> memref<1x128x128xf32, #tpu.memory_space<vmem>>
      %dma_wait3A_245 = tpu.memref_squeeze %dma_wait3A_244 : memref<1x128x128xf32, #tpu.memory_space<vmem>> -> memref<128x128xf32, #tpu.memory_space<vmem>>
      %dma_wait3A_246 = tpu.memref_slice %arg5[%mul3A_239] : memref<25600xi32, #tpu.memory_space<vmem>> -> memref<128xi32, #tpu.memory_space<vmem>>
      %dma_wait3A_247 = arith.constant 0 : i32
      %dma_wait3A_248 = arith.constant 0 : i32
      %dma_wait3A_249 = tpu.memref_slice %arg2[%dma_wait3A_247, %dma_wait3A_248] : memref<100000x128xf32, #tpu.memory_space<hbm>> -> memref<100000x128xf32, #tpu.memory_space<hbm>>
      %dma_wait3A_250 = tpu.memref_slice %arg7[%dma_wait3A_241] : memref<5x!tpu.dma_semaphore, #tpu.memory_space<semaphore_mem>> -> memref<1x!tpu.dma_semaphore, #tpu.memory_space<semaphore_mem>>
      %dma_wait3A_251 = tpu.memref_squeeze %dma_wait3A_250 : memref<1x!tpu.dma_semaphore, #tpu.memory_space<semaphore_mem>> -> memref<!tpu.dma_semaphore, #tpu.memory_space<semaphore_mem>>
      tpu.wait_indirect_dma semaphore(%dma_wait3A_251 : memref<!tpu.dma_semaphore, #tpu.memory_space<semaphore_mem>>) src(%dma_wait3A_249 : memref<100000x128xf32, #tpu.memory_space<hbm>>) dst(%dma_wait3A_245 : memref<128x128xf32, #tpu.memory_space<vmem>>)
      %mul3A_252 = arith.constant 128 : i32
      %mul3A_253 = arith.muli %add3A_231, %mul3A_252 : i32
      %add3A_254 = arith.addi %mul3A_2, %mul3A_253 : i32
      %dma_start3A_255 = arith.constant 2 : i32
      %dma_start3A_256 = arith.constant 2 : i32
      %dma_start3A_257 = arith.constant 0 : i32
      %dma_start3A_258 = arith.constant 0 : i32
      %dma_start3A_259 = tpu.memref_slice %arg6[%dma_start3A_255, %dma_start3A_257, %dma_start3A_258] : memref<5x128x128xf32, #tpu.memory_space<vmem>> -> memref<1x128x128xf32, #tpu.memory_space<vmem>>
      %dma_start3A_260 = tpu.memref_squeeze %dma_start3A_259 : memref<1x128x128xf32, #tpu.memory_space<vmem>> -> memref<128x128xf32, #tpu.memory_space<vmem>>
      %dma_start3A_261 = arith.constant 0 : i32
      %dma_start3A_262 = tpu.memref_slice %arg4[%add3A_254, %dma_start3A_261] : memref<819200x128xf32, #tpu.memory_space<hbm>> -> memref<128x128xf32, #tpu.memory_space<hbm>>
      %dma_start3A_263 = tpu.memref_slice %arg8[%dma_start3A_256] : memref<5x!tpu.dma_semaphore, #tpu.memory_space<semaphore_mem>> -> memref<1x!tpu.dma_semaphore, #tpu.memory_space<semaphore_mem>>
      %dma_start3A_264 = tpu.memref_squeeze %dma_start3A_263 : memref<1x!tpu.dma_semaphore, #tpu.memory_space<semaphore_mem>> -> memref<!tpu.dma_semaphore, #tpu.memory_space<semaphore_mem>>
      %dma_start3A_265 = arith.constant 0 : i32
      %dma_start3A_266 = tpu.memref_slice %arg4[%add3A_254, %dma_start3A_265] : memref<819200x128xf32, #tpu.memory_space<hbm>> -> memref<128x128xf32, #tpu.memory_space<hbm>>
      %dma_start3A_267 = arith.constant 0 : i32
      %dma_start3A_268 = arith.constant 0 : i32
      %dma_start3A_269 = tpu.memref_slice %arg6[%dma_start3A_255, %dma_start3A_267, %dma_start3A_268] : memref<5x128x128xf32, #tpu.memory_space<vmem>> -> memref<1x128x128xf32, #tpu.memory_space<vmem>>
      %dma_start3A_270 = tpu.memref_squeeze %dma_start3A_269 : memref<1x128x128xf32, #tpu.memory_space<vmem>> -> memref<128x128xf32, #tpu.memory_space<vmem>>
      tpu.enqueue_dma source(%dma_start3A_270 : memref<128x128xf32, #tpu.memory_space<vmem>>) target(%dma_start3A_266 : memref<128x128xf32, #tpu.memory_space<hbm>>) target_semaphore(%dma_start3A_264 : memref<!tpu.dma_semaphore, #tpu.memory_space<semaphore_mem>>)
      %add3A_271 = arith.constant 3 : i32
      %add3A_272 = arith.addi %mul3A_139, %add3A_271 : i32
      %add3A_273 = arith.constant 3 : i32
      %add3A_274 = arith.addi %add3A_272, %add3A_273 : i32
      %lt3A_275 = arith.constant 39 : i32
      %lt3A_276 = arith.cmpi slt, %scan3A_136, %lt3A_275 : i32
      %convert_element_type3A_277 = arith.extui %lt3A_276 : i1 to i32
      %cond3A_278 = arith.constant 0 : i32
      %cond3A_279 = arith.cmpi ne, %convert_element_type3A_277, %cond3A_278 : i32
      scf.if %cond3A_279 {
        %sub3A = arith.constant 5 : i32
        %sub3A_356 = arith.subi %add3A_274, %sub3A : i32
        %mul3A_357 = arith.constant 128 : i32
        %mul3A_358 = arith.muli %sub3A_356, %mul3A_357 : i32
        %add3A_359 = arith.addi %mul3A_2, %mul3A_358 : i32
        %dma_wait3A_360 = arith.constant 1 : i32
        %dma_wait3A_361 = arith.constant 1 : i32
        %dma_wait3A_362 = arith.constant 0 : i32
        %dma_wait3A_363 = arith.constant 0 : i32
        %dma_wait3A_364 = tpu.memref_slice %arg6[%dma_wait3A_360, %dma_wait3A_362, %dma_wait3A_363] : memref<5x128x128xf32, #tpu.memory_space<vmem>> -> memref<1x128x128xf32, #tpu.memory_space<vmem>>
        %dma_wait3A_365 = tpu.memref_squeeze %dma_wait3A_364 : memref<1x128x128xf32, #tpu.memory_space<vmem>> -> memref<128x128xf32, #tpu.memory_space<vmem>>
        %dma_wait3A_366 = arith.constant 0 : i32
        %dma_wait3A_367 = tpu.memref_slice %arg4[%add3A_359, %dma_wait3A_366] : memref<819200x128xf32, #tpu.memory_space<hbm>> -> memref<128x128xf32, #tpu.memory_space<hbm>>
        %dma_wait3A_368 = tpu.memref_slice %arg8[%dma_wait3A_361] : memref<5x!tpu.dma_semaphore, #tpu.memory_space<semaphore_mem>> -> memref<1x!tpu.dma_semaphore, #tpu.memory_space<semaphore_mem>>
        %dma_wait3A_369 = tpu.memref_squeeze %dma_wait3A_368 : memref<1x!tpu.dma_semaphore, #tpu.memory_space<semaphore_mem>> -> memref<!tpu.dma_semaphore, #tpu.memory_space<semaphore_mem>>
        %dma_wait3A_370 = arith.constant 0 : i32
        %dma_wait3A_371 = tpu.memref_slice %arg4[%add3A_359, %dma_wait3A_370] : memref<819200x128xf32, #tpu.memory_space<hbm>> -> memref<128x128xf32, #tpu.memory_space<hbm>>
        %dma_wait3A_372 = arith.constant 0 : i32
        %dma_wait3A_373 = arith.constant 0 : i32
        %dma_wait3A_374 = tpu.memref_slice %arg6[%dma_wait3A_360, %dma_wait3A_372, %dma_wait3A_373] : memref<5x128x128xf32, #tpu.memory_space<vmem>> -> memref<1x128x128xf32, #tpu.memory_space<vmem>>
        %dma_wait3A_375 = tpu.memref_squeeze %dma_wait3A_374 : memref<1x128x128xf32, #tpu.memory_space<vmem>> -> memref<128x128xf32, #tpu.memory_space<vmem>>
        tpu.wait_dma2 semaphore(%dma_wait3A_369 : memref<!tpu.dma_semaphore, #tpu.memory_space<semaphore_mem>>) src(%dma_wait3A_375 : memref<128x128xf32, #tpu.memory_space<vmem>>) dst(%dma_wait3A_371 : memref<128x128xf32, #tpu.memory_space<hbm>>)
        %mul3A_376 = arith.constant 128 : i32
        %mul3A_377 = arith.muli %add3A_274, %mul3A_376 : i32
        %dma_start3A_378 = arith.constant 1 : i32
        %dma_start3A_379 = arith.constant 1 : i32
        %dma_start3A_380 = arith.constant 0 : i32
        %dma_start3A_381 = arith.constant 0 : i32
        %dma_start3A_382 = tpu.memref_slice %arg6[%dma_start3A_378, %dma_start3A_380, %dma_start3A_381] : memref<5x128x128xf32, #tpu.memory_space<vmem>> -> memref<1x128x128xf32, #tpu.memory_space<vmem>>
        %dma_start3A_383 = tpu.memref_squeeze %dma_start3A_382 : memref<1x128x128xf32, #tpu.memory_space<vmem>> -> memref<128x128xf32, #tpu.memory_space<vmem>>
        %dma_start3A_384 = tpu.memref_slice %arg5[%mul3A_377] : memref<25600xi32, #tpu.memory_space<vmem>> -> memref<128xi32, #tpu.memory_space<vmem>>
        %dma_start3A_385 = arith.constant 0 : i32
        %dma_start3A_386 = arith.constant 0 : i32
        %dma_start3A_387 = tpu.memref_slice %arg2[%dma_start3A_385, %dma_start3A_386] : memref<100000x128xf32, #tpu.memory_space<hbm>> -> memref<100000x128xf32, #tpu.memory_space<hbm>>
        %dma_start3A_388 = tpu.memref_slice %arg7[%dma_start3A_379] : memref<5x!tpu.dma_semaphore, #tpu.memory_space<semaphore_mem>> -> memref<1x!tpu.dma_semaphore, #tpu.memory_space<semaphore_mem>>
        %dma_start3A_389 = tpu.memref_squeeze %dma_start3A_388 : memref<1x!tpu.dma_semaphore, #tpu.memory_space<semaphore_mem>> -> memref<!tpu.dma_semaphore, #tpu.memory_space<semaphore_mem>>
        tpu.enqueue_indirect_dma source(%dma_start3A_387 : memref<100000x128xf32, #tpu.memory_space<hbm>>) target(%dma_start3A_383 : memref<128x128xf32, #tpu.memory_space<vmem>>) offsets(%dma_start3A_384 : memref<128xi32, #tpu.memory_space<vmem>>) semaphore(%dma_start3A_389 : memref<!tpu.dma_semaphore, #tpu.memory_space<semaphore_mem>>)
      } else {
      }
      %mul3A_280 = arith.constant 128 : i32
      %mul3A_281 = arith.muli %add3A_272, %mul3A_280 : i32
      %dma_wait3A_282 = arith.constant 3 : i32
      %dma_wait3A_283 = arith.constant 3 : i32
      %dma_wait3A_284 = arith.constant 0 : i32
      %dma_wait3A_285 = arith.constant 0 : i32
      %dma_wait3A_286 = tpu.memref_slice %arg6[%dma_wait3A_282, %dma_wait3A_284, %dma_wait3A_285] : memref<5x128x128xf32, #tpu.memory_space<vmem>> -> memref<1x128x128xf32, #tpu.memory_space<vmem>>
      %dma_wait3A_287 = tpu.memref_squeeze %dma_wait3A_286 : memref<1x128x128xf32, #tpu.memory_space<vmem>> -> memref<128x128xf32, #tpu.memory_space<vmem>>
      %dma_wait3A_288 = tpu.memref_slice %arg5[%mul3A_281] : memref<25600xi32, #tpu.memory_space<vmem>> -> memref<128xi32, #tpu.memory_space<vmem>>
      %dma_wait3A_289 = arith.constant 0 : i32
      %dma_wait3A_290 = arith.constant 0 : i32
      %dma_wait3A_291 = tpu.memref_slice %arg2[%dma_wait3A_289, %dma_wait3A_290] : memref<100000x128xf32, #tpu.memory_space<hbm>> -> memref<100000x128xf32, #tpu.memory_space<hbm>>
      %dma_wait3A_292 = tpu.memref_slice %arg7[%dma_wait3A_283] : memref<5x!tpu.dma_semaphore, #tpu.memory_space<semaphore_mem>> -> memref<1x!tpu.dma_semaphore, #tpu.memory_space<semaphore_mem>>
      %dma_wait3A_293 = tpu.memref_squeeze %dma_wait3A_292 : memref<1x!tpu.dma_semaphore, #tpu.memory_space<semaphore_mem>> -> memref<!tpu.dma_semaphore, #tpu.memory_space<semaphore_mem>>
      tpu.wait_indirect_dma semaphore(%dma_wait3A_293 : memref<!tpu.dma_semaphore, #tpu.memory_space<semaphore_mem>>) src(%dma_wait3A_291 : memref<100000x128xf32, #tpu.memory_space<hbm>>) dst(%dma_wait3A_287 : memref<128x128xf32, #tpu.memory_space<vmem>>)
      %mul3A_294 = arith.constant 128 : i32
      %mul3A_295 = arith.muli %add3A_272, %mul3A_294 : i32
      %add3A_296 = arith.addi %mul3A_2, %mul3A_295 : i32
      %dma_start3A_297 = arith.constant 3 : i32
      %dma_start3A_298 = arith.constant 3 : i32
      %dma_start3A_299 = arith.constant 0 : i32
      %dma_start3A_300 = arith.constant 0 : i32
      %dma_start3A_301 = tpu.memref_slice %arg6[%dma_start3A_297, %dma_start3A_299, %dma_start3A_300] : memref<5x128x128xf32, #tpu.memory_space<vmem>> -> memref<1x128x128xf32, #tpu.memory_space<vmem>>
      %dma_start3A_302 = tpu.memref_squeeze %dma_start3A_301 : memref<1x128x128xf32, #tpu.memory_space<vmem>> -> memref<128x128xf32, #tpu.memory_space<vmem>>
      %dma_start3A_303 = arith.constant 0 : i32
      %dma_start3A_304 = tpu.memref_slice %arg4[%add3A_296, %dma_start3A_303] : memref<819200x128xf32, #tpu.memory_space<hbm>> -> memref<128x128xf32, #tpu.memory_space<hbm>>
      %dma_start3A_305 = tpu.memref_slice %arg8[%dma_start3A_298] : memref<5x!tpu.dma_semaphore, #tpu.memory_space<semaphore_mem>> -> memref<1x!tpu.dma_semaphore, #tpu.memory_space<semaphore_mem>>
      %dma_start3A_306 = tpu.memref_squeeze %dma_start3A_305 : memref<1x!tpu.dma_semaphore, #tpu.memory_space<semaphore_mem>> -> memref<!tpu.dma_semaphore, #tpu.memory_space<semaphore_mem>>
      %dma_start3A_307 = arith.constant 0 : i32
      %dma_start3A_308 = tpu.memref_slice %arg4[%add3A_296, %dma_start3A_307] : memref<819200x128xf32, #tpu.memory_space<hbm>> -> memref<128x128xf32, #tpu.memory_space<hbm>>
      %dma_start3A_309 = arith.constant 0 : i32
      %dma_start3A_310 = arith.constant 0 : i32
      %dma_start3A_311 = tpu.memref_slice %arg6[%dma_start3A_297, %dma_start3A_309, %dma_start3A_310] : memref<5x128x128xf32, #tpu.memory_space<vmem>> -> memref<1x128x128xf32, #tpu.memory_space<vmem>>
      %dma_start3A_312 = tpu.memref_squeeze %dma_start3A_311 : memref<1x128x128xf32, #tpu.memory_space<vmem>> -> memref<128x128xf32, #tpu.memory_space<vmem>>
      tpu.enqueue_dma source(%dma_start3A_312 : memref<128x128xf32, #tpu.memory_space<vmem>>) target(%dma_start3A_308 : memref<128x128xf32, #tpu.memory_space<hbm>>) target_semaphore(%dma_start3A_306 : memref<!tpu.dma_semaphore, #tpu.memory_space<semaphore_mem>>)
      %add3A_313 = arith.constant 4 : i32
      %add3A_314 = arith.addi %mul3A_139, %add3A_313 : i32
      %add3A_315 = arith.constant 3 : i32
      %add3A_316 = arith.addi %add3A_314, %add3A_315 : i32
      %lt3A_317 = arith.constant 39 : i32
      %lt3A_318 = arith.cmpi slt, %scan3A_136, %lt3A_317 : i32
      %convert_element_type3A_319 = arith.extui %lt3A_318 : i1 to i32
      %cond3A_320 = arith.constant 0 : i32
      %cond3A_321 = arith.cmpi ne, %convert_element_type3A_319, %cond3A_320 : i32
      scf.if %cond3A_321 {
        %sub3A = arith.constant 5 : i32
        %sub3A_356 = arith.subi %add3A_316, %sub3A : i32
        %mul3A_357 = arith.constant 128 : i32
        %mul3A_358 = arith.muli %sub3A_356, %mul3A_357 : i32
        %add3A_359 = arith.addi %mul3A_2, %mul3A_358 : i32
        %dma_wait3A_360 = arith.constant 2 : i32
        %dma_wait3A_361 = arith.constant 2 : i32
        %dma_wait3A_362 = arith.constant 0 : i32
        %dma_wait3A_363 = arith.constant 0 : i32
        %dma_wait3A_364 = tpu.memref_slice %arg6[%dma_wait3A_360, %dma_wait3A_362, %dma_wait3A_363] : memref<5x128x128xf32, #tpu.memory_space<vmem>> -> memref<1x128x128xf32, #tpu.memory_space<vmem>>
        %dma_wait3A_365 = tpu.memref_squeeze %dma_wait3A_364 : memref<1x128x128xf32, #tpu.memory_space<vmem>> -> memref<128x128xf32, #tpu.memory_space<vmem>>
        %dma_wait3A_366 = arith.constant 0 : i32
        %dma_wait3A_367 = tpu.memref_slice %arg4[%add3A_359, %dma_wait3A_366] : memref<819200x128xf32, #tpu.memory_space<hbm>> -> memref<128x128xf32, #tpu.memory_space<hbm>>
        %dma_wait3A_368 = tpu.memref_slice %arg8[%dma_wait3A_361] : memref<5x!tpu.dma_semaphore, #tpu.memory_space<semaphore_mem>> -> memref<1x!tpu.dma_semaphore, #tpu.memory_space<semaphore_mem>>
        %dma_wait3A_369 = tpu.memref_squeeze %dma_wait3A_368 : memref<1x!tpu.dma_semaphore, #tpu.memory_space<semaphore_mem>> -> memref<!tpu.dma_semaphore, #tpu.memory_space<semaphore_mem>>
        %dma_wait3A_370 = arith.constant 0 : i32
        %dma_wait3A_371 = tpu.memref_slice %arg4[%add3A_359, %dma_wait3A_370] : memref<819200x128xf32, #tpu.memory_space<hbm>> -> memref<128x128xf32, #tpu.memory_space<hbm>>
        %dma_wait3A_372 = arith.constant 0 : i32
        %dma_wait3A_373 = arith.constant 0 : i32
        %dma_wait3A_374 = tpu.memref_slice %arg6[%dma_wait3A_360, %dma_wait3A_372, %dma_wait3A_373] : memref<5x128x128xf32, #tpu.memory_space<vmem>> -> memref<1x128x128xf32, #tpu.memory_space<vmem>>
        %dma_wait3A_375 = tpu.memref_squeeze %dma_wait3A_374 : memref<1x128x128xf32, #tpu.memory_space<vmem>> -> memref<128x128xf32, #tpu.memory_space<vmem>>
        tpu.wait_dma2 semaphore(%dma_wait3A_369 : memref<!tpu.dma_semaphore, #tpu.memory_space<semaphore_mem>>) src(%dma_wait3A_375 : memref<128x128xf32, #tpu.memory_space<vmem>>) dst(%dma_wait3A_371 : memref<128x128xf32, #tpu.memory_space<hbm>>)
        %mul3A_376 = arith.constant 128 : i32
        %mul3A_377 = arith.muli %add3A_316, %mul3A_376 : i32
        %dma_start3A_378 = arith.constant 2 : i32
        %dma_start3A_379 = arith.constant 2 : i32
        %dma_start3A_380 = arith.constant 0 : i32
        %dma_start3A_381 = arith.constant 0 : i32
        %dma_start3A_382 = tpu.memref_slice %arg6[%dma_start3A_378, %dma_start3A_380, %dma_start3A_381] : memref<5x128x128xf32, #tpu.memory_space<vmem>> -> memref<1x128x128xf32, #tpu.memory_space<vmem>>
        %dma_start3A_383 = tpu.memref_squeeze %dma_start3A_382 : memref<1x128x128xf32, #tpu.memory_space<vmem>> -> memref<128x128xf32, #tpu.memory_space<vmem>>
        %dma_start3A_384 = tpu.memref_slice %arg5[%mul3A_377] : memref<25600xi32, #tpu.memory_space<vmem>> -> memref<128xi32, #tpu.memory_space<vmem>>
        %dma_start3A_385 = arith.constant 0 : i32
        %dma_start3A_386 = arith.constant 0 : i32
        %dma_start3A_387 = tpu.memref_slice %arg2[%dma_start3A_385, %dma_start3A_386] : memref<100000x128xf32, #tpu.memory_space<hbm>> -> memref<100000x128xf32, #tpu.memory_space<hbm>>
        %dma_start3A_388 = tpu.memref_slice %arg7[%dma_start3A_379] : memref<5x!tpu.dma_semaphore, #tpu.memory_space<semaphore_mem>> -> memref<1x!tpu.dma_semaphore, #tpu.memory_space<semaphore_mem>>
        %dma_start3A_389 = tpu.memref_squeeze %dma_start3A_388 : memref<1x!tpu.dma_semaphore, #tpu.memory_space<semaphore_mem>> -> memref<!tpu.dma_semaphore, #tpu.memory_space<semaphore_mem>>
        tpu.enqueue_indirect_dma source(%dma_start3A_387 : memref<100000x128xf32, #tpu.memory_space<hbm>>) target(%dma_start3A_383 : memref<128x128xf32, #tpu.memory_space<vmem>>) offsets(%dma_start3A_384 : memref<128xi32, #tpu.memory_space<vmem>>) semaphore(%dma_start3A_389 : memref<!tpu.dma_semaphore, #tpu.memory_space<semaphore_mem>>)
      } else {
      }
      %mul3A_322 = arith.constant 128 : i32
      %mul3A_323 = arith.muli %add3A_314, %mul3A_322 : i32
      %dma_wait3A_324 = arith.constant 4 : i32
      %dma_wait3A_325 = arith.constant 4 : i32
      %dma_wait3A_326 = arith.constant 0 : i32
      %dma_wait3A_327 = arith.constant 0 : i32
      %dma_wait3A_328 = tpu.memref_slice %arg6[%dma_wait3A_324, %dma_wait3A_326, %dma_wait3A_327] : memref<5x128x128xf32, #tpu.memory_space<vmem>> -> memref<1x128x128xf32, #tpu.memory_space<vmem>>
      %dma_wait3A_329 = tpu.memref_squeeze %dma_wait3A_328 : memref<1x128x128xf32, #tpu.memory_space<vmem>> -> memref<128x128xf32, #tpu.memory_space<vmem>>
      %dma_wait3A_330 = tpu.memref_slice %arg5[%mul3A_323] : memref<25600xi32, #tpu.memory_space<vmem>> -> memref<128xi32, #tpu.memory_space<vmem>>
      %dma_wait3A_331 = arith.constant 0 : i32
      %dma_wait3A_332 = arith.constant 0 : i32
      %dma_wait3A_333 = tpu.memref_slice %arg2[%dma_wait3A_331, %dma_wait3A_332] : memref<100000x128xf32, #tpu.memory_space<hbm>> -> memref<100000x128xf32, #tpu.memory_space<hbm>>
      %dma_wait3A_334 = tpu.memref_slice %arg7[%dma_wait3A_325] : memref<5x!tpu.dma_semaphore, #tpu.memory_space<semaphore_mem>> -> memref<1x!tpu.dma_semaphore, #tpu.memory_space<semaphore_mem>>
      %dma_wait3A_335 = tpu.memref_squeeze %dma_wait3A_334 : memref<1x!tpu.dma_semaphore, #tpu.memory_space<semaphore_mem>> -> memref<!tpu.dma_semaphore, #tpu.memory_space<semaphore_mem>>
      tpu.wait_indirect_dma semaphore(%dma_wait3A_335 : memref<!tpu.dma_semaphore, #tpu.memory_space<semaphore_mem>>) src(%dma_wait3A_333 : memref<100000x128xf32, #tpu.memory_space<hbm>>) dst(%dma_wait3A_329 : memref<128x128xf32, #tpu.memory_space<vmem>>)
      %mul3A_336 = arith.constant 128 : i32
      %mul3A_337 = arith.muli %add3A_314, %mul3A_336 : i32
      %add3A_338 = arith.addi %mul3A_2, %mul3A_337 : i32
      %dma_start3A_339 = arith.constant 4 : i32
      %dma_start3A_340 = arith.constant 4 : i32
      %dma_start3A_341 = arith.constant 0 : i32
      %dma_start3A_342 = arith.constant 0 : i32
      %dma_start3A_343 = tpu.memref_slice %arg6[%dma_start3A_339, %dma_start3A_341, %dma_start3A_342] : memref<5x128x128xf32, #tpu.memory_space<vmem>> -> memref<1x128x128xf32, #tpu.memory_space<vmem>>
      %dma_start3A_344 = tpu.memref_squeeze %dma_start3A_343 : memref<1x128x128xf32, #tpu.memory_space<vmem>> -> memref<128x128xf32, #tpu.memory_space<vmem>>
      %dma_start3A_345 = arith.constant 0 : i32
      %dma_start3A_346 = tpu.memref_slice %arg4[%add3A_338, %dma_start3A_345] : memref<819200x128xf32, #tpu.memory_space<hbm>> -> memref<128x128xf32, #tpu.memory_space<hbm>>
      %dma_start3A_347 = tpu.memref_slice %arg8[%dma_start3A_340] : memref<5x!tpu.dma_semaphore, #tpu.memory_space<semaphore_mem>> -> memref<1x!tpu.dma_semaphore, #tpu.memory_space<semaphore_mem>>
      %dma_start3A_348 = tpu.memref_squeeze %dma_start3A_347 : memref<1x!tpu.dma_semaphore, #tpu.memory_space<semaphore_mem>> -> memref<!tpu.dma_semaphore, #tpu.memory_space<semaphore_mem>>
      %dma_start3A_349 = arith.constant 0 : i32
      %dma_start3A_350 = tpu.memref_slice %arg4[%add3A_338, %dma_start3A_349] : memref<819200x128xf32, #tpu.memory_space<hbm>> -> memref<128x128xf32, #tpu.memory_space<hbm>>
      %dma_start3A_351 = arith.constant 0 : i32
      %dma_start3A_352 = arith.constant 0 : i32
      %dma_start3A_353 = tpu.memref_slice %arg6[%dma_start3A_339, %dma_start3A_351, %dma_start3A_352] : memref<5x128x128xf32, #tpu.memory_space<vmem>> -> memref<1x128x128xf32, #tpu.memory_space<vmem>>
      %dma_start3A_354 = tpu.memref_squeeze %dma_start3A_353 : memref<1x128x128xf32, #tpu.memory_space<vmem>> -> memref<128x128xf32, #tpu.memory_space<vmem>>
      tpu.enqueue_dma source(%dma_start3A_354 : memref<128x128xf32, #tpu.memory_space<vmem>>) target(%dma_start3A_350 : memref<128x128xf32, #tpu.memory_space<hbm>>) target_semaphore(%dma_start3A_348 : memref<!tpu.dma_semaphore, #tpu.memory_space<semaphore_mem>>)
      %scan3A_355 = arith.constant 0 : i32
      scf.yield %scan3A_355 : i32
    }
    %scan3A_46 = arith.constant 40 : i32
    %add3A_47 = arith.constant 24960 : i32
    %add3A_48 = arith.addi %mul3A_2, %add3A_47 : i32
    %dma_wait3A = arith.constant 0 : i32
    %dma_wait3A_49 = arith.constant 0 : i32
    %dma_wait3A_50 = arith.constant 0 : i32
    %dma_wait3A_51 = arith.constant 0 : i32
    %dma_wait3A_52 = tpu.memref_slice %arg6[%dma_wait3A, %dma_wait3A_50, %dma_wait3A_51] : memref<5x128x128xf32, #tpu.memory_space<vmem>> -> memref<1x128x128xf32, #tpu.memory_space<vmem>>
    %dma_wait3A_53 = tpu.memref_squeeze %dma_wait3A_52 : memref<1x128x128xf32, #tpu.memory_space<vmem>> -> memref<128x128xf32, #tpu.memory_space<vmem>>
    %dma_wait3A_54 = arith.constant 0 : i32
    %dma_wait3A_55 = tpu.memref_slice %arg4[%add3A_48, %dma_wait3A_54] : memref<819200x128xf32, #tpu.memory_space<hbm>> -> memref<128x128xf32, #tpu.memory_space<hbm>>
    %dma_wait3A_56 = tpu.memref_slice %arg8[%dma_wait3A_49] : memref<5x!tpu.dma_semaphore, #tpu.memory_space<semaphore_mem>> -> memref<1x!tpu.dma_semaphore, #tpu.memory_space<semaphore_mem>>
    %dma_wait3A_57 = tpu.memref_squeeze %dma_wait3A_56 : memref<1x!tpu.dma_semaphore, #tpu.memory_space<semaphore_mem>> -> memref<!tpu.dma_semaphore, #tpu.memory_space<semaphore_mem>>
    %dma_wait3A_58 = arith.constant 0 : i32
    %dma_wait3A_59 = tpu.memref_slice %arg4[%add3A_48, %dma_wait3A_58] : memref<819200x128xf32, #tpu.memory_space<hbm>> -> memref<128x128xf32, #tpu.memory_space<hbm>>
    %dma_wait3A_60 = arith.constant 0 : i32
    %dma_wait3A_61 = arith.constant 0 : i32
    %dma_wait3A_62 = tpu.memref_slice %arg6[%dma_wait3A, %dma_wait3A_60, %dma_wait3A_61] : memref<5x128x128xf32, #tpu.memory_space<vmem>> -> memref<1x128x128xf32, #tpu.memory_space<vmem>>
    %dma_wait3A_63 = tpu.memref_squeeze %dma_wait3A_62 : memref<1x128x128xf32, #tpu.memory_space<vmem>> -> memref<128x128xf32, #tpu.memory_space<vmem>>
    tpu.wait_dma2 semaphore(%dma_wait3A_57 : memref<!tpu.dma_semaphore, #tpu.memory_space<semaphore_mem>>) src(%dma_wait3A_63 : memref<128x128xf32, #tpu.memory_space<vmem>>) dst(%dma_wait3A_59 : memref<128x128xf32, #tpu.memory_space<hbm>>)
    %add3A_64 = arith.constant 25088 : i32
    %add3A_65 = arith.addi %mul3A_2, %add3A_64 : i32
    %dma_wait3A_66 = arith.constant 1 : i32
    %dma_wait3A_67 = arith.constant 1 : i32
    %dma_wait3A_68 = arith.constant 0 : i32
    %dma_wait3A_69 = arith.constant 0 : i32
    %dma_wait3A_70 = tpu.memref_slice %arg6[%dma_wait3A_66, %dma_wait3A_68, %dma_wait3A_69] : memref<5x128x128xf32, #tpu.memory_space<vmem>> -> memref<1x128x128xf32, #tpu.memory_space<vmem>>
    %dma_wait3A_71 = tpu.memref_squeeze %dma_wait3A_70 : memref<1x128x128xf32, #tpu.memory_space<vmem>> -> memref<128x128xf32, #tpu.memory_space<vmem>>
    %dma_wait3A_72 = arith.constant 0 : i32
    %dma_wait3A_73 = tpu.memref_slice %arg4[%add3A_65, %dma_wait3A_72] : memref<819200x128xf32, #tpu.memory_space<hbm>> -> memref<128x128xf32, #tpu.memory_space<hbm>>
    %dma_wait3A_74 = tpu.memref_slice %arg8[%dma_wait3A_67] : memref<5x!tpu.dma_semaphore, #tpu.memory_space<semaphore_mem>> -> memref<1x!tpu.dma_semaphore, #tpu.memory_space<semaphore_mem>>
    %dma_wait3A_75 = tpu.memref_squeeze %dma_wait3A_74 : memref<1x!tpu.dma_semaphore, #tpu.memory_space<semaphore_mem>> -> memref<!tpu.dma_semaphore, #tpu.memory_space<semaphore_mem>>
    %dma_wait3A_76 = arith.constant 0 : i32
    %dma_wait3A_77 = tpu.memref_slice %arg4[%add3A_65, %dma_wait3A_76] : memref<819200x128xf32, #tpu.memory_space<hbm>> -> memref<128x128xf32, #tpu.memory_space<hbm>>
    %dma_wait3A_78 = arith.constant 0 : i32
    %dma_wait3A_79 = arith.constant 0 : i32
    %dma_wait3A_80 = tpu.memref_slice %arg6[%dma_wait3A_66, %dma_wait3A_78, %dma_wait3A_79] : memref<5x128x128xf32, #tpu.memory_space<vmem>> -> memref<1x128x128xf32, #tpu.memory_space<vmem>>
    %dma_wait3A_81 = tpu.memref_squeeze %dma_wait3A_80 : memref<1x128x128xf32, #tpu.memory_space<vmem>> -> memref<128x128xf32, #tpu.memory_space<vmem>>
    tpu.wait_dma2 semaphore(%dma_wait3A_75 : memref<!tpu.dma_semaphore, #tpu.memory_space<semaphore_mem>>) src(%dma_wait3A_81 : memref<128x128xf32, #tpu.memory_space<vmem>>) dst(%dma_wait3A_77 : memref<128x128xf32, #tpu.memory_space<hbm>>)
    %add3A_82 = arith.constant 25216 : i32
    %add3A_83 = arith.addi %mul3A_2, %add3A_82 : i32
    %dma_wait3A_84 = arith.constant 2 : i32
    %dma_wait3A_85 = arith.constant 2 : i32
    %dma_wait3A_86 = arith.constant 0 : i32
    %dma_wait3A_87 = arith.constant 0 : i32
    %dma_wait3A_88 = tpu.memref_slice %arg6[%dma_wait3A_84, %dma_wait3A_86, %dma_wait3A_87] : memref<5x128x128xf32, #tpu.memory_space<vmem>> -> memref<1x128x128xf32, #tpu.memory_space<vmem>>
    %dma_wait3A_89 = tpu.memref_squeeze %dma_wait3A_88 : memref<1x128x128xf32, #tpu.memory_space<vmem>> -> memref<128x128xf32, #tpu.memory_space<vmem>>
    %dma_wait3A_90 = arith.constant 0 : i32
    %dma_wait3A_91 = tpu.memref_slice %arg4[%add3A_83, %dma_wait3A_90] : memref<819200x128xf32, #tpu.memory_space<hbm>> -> memref<128x128xf32, #tpu.memory_space<hbm>>
    %dma_wait3A_92 = tpu.memref_slice %arg8[%dma_wait3A_85] : memref<5x!tpu.dma_semaphore, #tpu.memory_space<semaphore_mem>> -> memref<1x!tpu.dma_semaphore, #tpu.memory_space<semaphore_mem>>
    %dma_wait3A_93 = tpu.memref_squeeze %dma_wait3A_92 : memref<1x!tpu.dma_semaphore, #tpu.memory_space<semaphore_mem>> -> memref<!tpu.dma_semaphore, #tpu.memory_space<semaphore_mem>>
    %dma_wait3A_94 = arith.constant 0 : i32
    %dma_wait3A_95 = tpu.memref_slice %arg4[%add3A_83, %dma_wait3A_94] : memref<819200x128xf32, #tpu.memory_space<hbm>> -> memref<128x128xf32, #tpu.memory_space<hbm>>
    %dma_wait3A_96 = arith.constant 0 : i32
    %dma_wait3A_97 = arith.constant 0 : i32
    %dma_wait3A_98 = tpu.memref_slice %arg6[%dma_wait3A_84, %dma_wait3A_96, %dma_wait3A_97] : memref<5x128x128xf32, #tpu.memory_space<vmem>> -> memref<1x128x128xf32, #tpu.memory_space<vmem>>
    %dma_wait3A_99 = tpu.memref_squeeze %dma_wait3A_98 : memref<1x128x128xf32, #tpu.memory_space<vmem>> -> memref<128x128xf32, #tpu.memory_space<vmem>>
    tpu.wait_dma2 semaphore(%dma_wait3A_93 : memref<!tpu.dma_semaphore, #tpu.memory_space<semaphore_mem>>) src(%dma_wait3A_99 : memref<128x128xf32, #tpu.memory_space<vmem>>) dst(%dma_wait3A_95 : memref<128x128xf32, #tpu.memory_space<hbm>>)
    %add3A_100 = arith.constant 25344 : i32
    %add3A_101 = arith.addi %mul3A_2, %add3A_100 : i32
    %dma_wait3A_102 = arith.constant 3 : i32
    %dma_wait3A_103 = arith.constant 3 : i32
    %dma_wait3A_104 = arith.constant 0 : i32
    %dma_wait3A_105 = arith.constant 0 : i32
    %dma_wait3A_106 = tpu.memref_slice %arg6[%dma_wait3A_102, %dma_wait3A_104, %dma_wait3A_105] : memref<5x128x128xf32, #tpu.memory_space<vmem>> -> memref<1x128x128xf32, #tpu.memory_space<vmem>>
    %dma_wait3A_107 = tpu.memref_squeeze %dma_wait3A_106 : memref<1x128x128xf32, #tpu.memory_space<vmem>> -> memref<128x128xf32, #tpu.memory_space<vmem>>
    %dma_wait3A_108 = arith.constant 0 : i32
    %dma_wait3A_109 = tpu.memref_slice %arg4[%add3A_101, %dma_wait3A_108] : memref<819200x128xf32, #tpu.memory_space<hbm>> -> memref<128x128xf32, #tpu.memory_space<hbm>>
    %dma_wait3A_110 = tpu.memref_slice %arg8[%dma_wait3A_103] : memref<5x!tpu.dma_semaphore, #tpu.memory_space<semaphore_mem>> -> memref<1x!tpu.dma_semaphore, #tpu.memory_space<semaphore_mem>>
    %dma_wait3A_111 = tpu.memref_squeeze %dma_wait3A_110 : memref<1x!tpu.dma_semaphore, #tpu.memory_space<semaphore_mem>> -> memref<!tpu.dma_semaphore, #tpu.memory_space<semaphore_mem>>
    %dma_wait3A_112 = arith.constant 0 : i32
    %dma_wait3A_113 = tpu.memref_slice %arg4[%add3A_101, %dma_wait3A_112] : memref<819200x128xf32, #tpu.memory_space<hbm>> -> memref<128x128xf32, #tpu.memory_space<hbm>>
    %dma_wait3A_114 = arith.constant 0 : i32
    %dma_wait3A_115 = arith.constant 0 : i32
    %dma_wait3A_116 = tpu.memref_slice %arg6[%dma_wait3A_102, %dma_wait3A_114, %dma_wait3A_115] : memref<5x128x128xf32, #tpu.memory_space<vmem>> -> memref<1x128x128xf32, #tpu.memory_space<vmem>>
    %dma_wait3A_117 = tpu.memref_squeeze %dma_wait3A_116 : memref<1x128x128xf32, #tpu.memory_space<vmem>> -> memref<128x128xf32, #tpu.memory_space<vmem>>
    tpu.wait_dma2 semaphore(%dma_wait3A_111 : memref<!tpu.dma_semaphore, #tpu.memory_space<semaphore_mem>>) src(%dma_wait3A_117 : memref<128x128xf32, #tpu.memory_space<vmem>>) dst(%dma_wait3A_113 : memref<128x128xf32, #tpu.memory_space<hbm>>)
    %add3A_118 = arith.constant 25472 : i32
    %add3A_119 = arith.addi %mul3A_2, %add3A_118 : i32
    %dma_wait3A_120 = arith.constant 4 : i32
    %dma_wait3A_121 = arith.constant 4 : i32
    %dma_wait3A_122 = arith.constant 0 : i32
    %dma_wait3A_123 = arith.constant 0 : i32
    %dma_wait3A_124 = tpu.memref_slice %arg6[%dma_wait3A_120, %dma_wait3A_122, %dma_wait3A_123] : memref<5x128x128xf32, #tpu.memory_space<vmem>> -> memref<1x128x128xf32, #tpu.memory_space<vmem>>
    %dma_wait3A_125 = tpu.memref_squeeze %dma_wait3A_124 : memref<1x128x128xf32, #tpu.memory_space<vmem>> -> memref<128x128xf32, #tpu.memory_space<vmem>>
    %dma_wait3A_126 = arith.constant 0 : i32
    %dma_wait3A_127 = tpu.memref_slice %arg4[%add3A_119, %dma_wait3A_126] : memref<819200x128xf32, #tpu.memory_space<hbm>> -> memref<128x128xf32, #tpu.memory_space<hbm>>
    %dma_wait3A_128 = tpu.memref_slice %arg8[%dma_wait3A_121] : memref<5x!tpu.dma_semaphore, #tpu.memory_space<semaphore_mem>> -> memref<1x!tpu.dma_semaphore, #tpu.memory_space<semaphore_mem>>
    %dma_wait3A_129 = tpu.memref_squeeze %dma_wait3A_128 : memref<1x!tpu.dma_semaphore, #tpu.memory_space<semaphore_mem>> -> memref<!tpu.dma_semaphore, #tpu.memory_space<semaphore_mem>>
    %dma_wait3A_130 = arith.constant 0 : i32
    %dma_wait3A_131 = tpu.memref_slice %arg4[%add3A_119, %dma_wait3A_130] : memref<819200x128xf32, #tpu.memory_space<hbm>> -> memref<128x128xf32, #tpu.memory_space<hbm>>
    %dma_wait3A_132 = arith.constant 0 : i32
    %dma_wait3A_133 = arith.constant 0 : i32
    %dma_wait3A_134 = tpu.memref_slice %arg6[%dma_wait3A_120, %dma_wait3A_132, %dma_wait3A_133] : memref<5x128x128xf32, #tpu.memory_space<vmem>> -> memref<1x128x128xf32, #tpu.memory_space<vmem>>
    %dma_wait3A_135 = tpu.memref_squeeze %dma_wait3A_134 : memref<1x128x128xf32, #tpu.memory_space<vmem>> -> memref<128x128xf32, #tpu.memory_space<vmem>>
    tpu.wait_dma2 semaphore(%dma_wait3A_129 : memref<!tpu.dma_semaphore, #tpu.memory_space<semaphore_mem>>) src(%dma_wait3A_135 : memref<128x128xf32, #tpu.memory_space<vmem>>) dst(%dma_wait3A_131 : memref<128x128xf32, #tpu.memory_space<hbm>>)
    return
  }
}

</mosaic_0001>

<sc_bundles>
// kernel: kernel.3.cloned.1.call-start
scs
__scs_entry_jumppad:
0x0: {  	(pc) =	sbr.rel $0x88, $3  }
0x1: {  	(tag) =	ssettag $0x0;
	lr =	simm.s32 $0x1  }
0x2: {  	[smem:$0x3F9F] =	sst lr;
	_ =	strace $0xD0000000  }
0x3: {  	_ = 	snop  }
0x4: {  	_ = 	snop  }
0x5: {  	_ = 	snop  }
0x6: {  	_ = 	snop  }
0x7: {  	_ = 	snop  }
__scs_overlays_trampoline_lowered:
0x8: {  	[smem:$0x3FAE] =	sst s0  }
0x9: {  	[smem:$0x3FAF] =	sst s1  }
0xa: {  	[smem:$0x3FB0] =	sst s2  }
0xb: {  	[smem:$0x3FB1] =	sst s3  }
0xc: {  	[smem:$0x3FB2] =	sst s4  }
0xd: {  	[smem:$0x3FB3] =	sst s5  }
0xe: {  	[smem:$0x3FB4] =	sst s6  }
0xf: {  	[smem:$0x3FB5] =	sst s7  }
0x10: {  	[smem:$0x3FB6] =	sst s8  }
0x11: {  	[smem:$0x3FB7] =	sst s9;
	s0 =	simm.s32 @!p0 $0x0  }
0x12: {  	s1 =	sld [smem:$0x3F9D];
	s0 =	simm.s32 @p0 $0x1  }
0x13: {  	[smem:$0x3FB8] =	sst s0;
	s0 =	simm.s32 @!p1 $0x0  }
0x14: {  	s2 =	sld [smem:$0x3F9C];
	s0 =	simm.s32 @p1 $0x1  }
0x15: {  	[smem:$0x3FB9] =	sst s0;
	s0 =	simm.s32 @!p2 $0x0  }
0x16: {  	s3 =	sld [smem:$0x3FDB];
	s0 =	simm.s32 @p2 $0x1  }
0x17: {  	s4 =	simm.s32 $0x1BF5;
	[smem:$0x3FBB] =	sst s0  }
0x18: {  	s0 =	sld [smem:$0x3F9E];
	_ =	swait.ge [sflag:s4], $0x0  }
0x19: {  	s7 =	sld [smem:$0x3F9F]  }
0x1a: {  	s8 =	sadd.s32 $0xFFFFE003, lr  }
0x1b: {  	s9 =	sadd.s32 $0xFFFFFEF7, lr;
	s5 =	simm.s32 $0xFFFFFFFF;
	p2 =	slt.u32 s8, $0xFFFFF086  }
0x1c: {  	p1 =	slt.u32 s9, $0xF7A;
	s5 =	simm.s32 @!p2 $0x0  }
0x1d: {  	s5 =	simm.s32 @p1 $0x1;
	p0 =	seq.s32 s7, s2  }
0x1e: {  	s7 =	smul.u32 @!p0 $0xF7A, s2;
	p2 =	seq.s32 @!p0 s5, $0x0  }
0x1f: {  	s9 =	smul.u32 $0xF7A, s1;
	s8 =	simm.s32 @!p0 $0x1BF5;
	p2 =	por !p2, p0  }
0x20: {  	[sflag:s8] =	ssyncset.s32 @!p0 $0xFFFFF086;
	s6 =	sadd.s32 @!p0 s3, s7;
	s7 =	simm.s32 @!p0 $0x108  }
0x21: {  	s3 =	sadd.s32 s3, s9;
	s6 =	sadd.s32 @!p0 $0x88, s6;
	s7 =	simm.s32 @p2 $0x1082  }
0x22: {  	[simem:s7], [sflag:s8] =	dma.local @!p0 [hbm:s6], $0xF7A  }
0x23: {  	s9 =	sor.u32 $0xD0000000, s2;
	s6 =	simm.s32 $0x108;
	_ =	swait.ge @!p0 [sflag:s8], $0x0  }
0x24: {  	s3 =	sadd.s32 $0x88, s3;
	s6 =	simm.s32 @!p1 $0x1082;
	[sflag:s4] =	ssyncset.s32 $0xFFFFF086  }
0x25: {  	[simem:s6], [sflag:s4] =	dma.local [hbm:s3], $0xF7A  }
0x26: {  	[smem:$0x3F9F] =	sst s1;
	(tag) =	ssettag s2;
	_ =	strace s9  }
0x27: {  	s1 =	sld [smem:$0x3FAF]  }
0x28: {  	s2 =	sld [smem:$0x3FB0]  }
0x29: {  	s4 =	sld [smem:$0x3FB2]  }
0x2a: {  	p0 =	seq.s32 s5, $0x0;
	s5 =	sld [smem:$0x3FB3]  }
0x2b: {  	s6 =	sld [smem:$0x3FB4]  }
0x2c: {  	s7 =	sld [smem:$0x3FB5]  }
0x2d: {  	s3 =	simm.s32 $0x108;
	s8 =	sld [smem:$0x3FB6]  }
0x2e: {  	s3 =	simm.s32 @!p0 $0x1082;
	s9 =	sld [smem:$0x3FB7]  }
0x2f: {  	lr =	sadd.s32 s0, s3;
	s0 =	sld [smem:$0x3FAE]  }
0x30: {  	s3 =	sld [smem:$0x3FB1]  }
0x31: {  	[smem:$0x3FBA] =	sst s10  }
0x32: {  	s10 =	sld [smem:$0x3FB8];
	_ =	sdelay $0x3  }
0x33: {  	p0 =	seq.s32 s10, $0x1;
	s10 =	sld [smem:$0x3FBA];
	_ =	sdelay $0x3  }
0x34: {  	[smem:$0x3FBA] =	sst s10  }
0x35: {  	s10 =	sld [smem:$0x3FB9];
	_ =	sdelay $0x3  }
0x36: {  	p1 =	seq.s32 s10, $0x1;
	s10 =	sld [smem:$0x3FBA];
	_ =	sdelay $0x3  }
0x37: {  	[smem:$0x3FBA] =	sst s10  }
0x38: {  	s10 =	sld [smem:$0x3FBB]  }
0x39: {  	_ = 	snop;
	(pc) =	sbr.ind lr, $3  }
0x3a: {  	_ = 	snop  }
0x3b: {  	_ = 	snop  }
0x3c: {  	p2 =	seq.s32 s10, $0x1;
	s10 =	sld [smem:$0x3FBA]  }
0x3d: {  	_ =	shalt  }
0x3e: {  	_ =	shalt  }
0x3f: {  	_ =	shalt  }
0x40: {  	_ =	shalt  }
0x41: {  	_ =	shalt  }
0x42: {  	_ =	shalt  }
0x43: {  	_ =	shalt  }
0x44: {  	_ =	shalt  }
0x45: {  	_ =	shalt  }
0x46: {  	_ =	shalt  }
0x47: {  	_ =	shalt  }
0x48: {  	_ =	shalt  }
0x49: {  	_ =	shalt  }
0x4a: {  	_ =	shalt  }
0x4b: {  	_ =	shalt  }
0x4c: {  	_ =	shalt  }
0x4d: {  	_ =	shalt  }
0x4e: {  	_ =	shalt  }
0x4f: {  	_ =	shalt  }
0x50: {  	_ =	shalt  }
0x51: {  	_ =	shalt  }
0x52: {  	_ =	shalt  }
0x53: {  	_ =	shalt  }
0x54: {  	_ =	shalt  }
0x55: {  	_ =	shalt  }
0x56: {  	_ =	shalt  }
0x57: {  	_ =	shalt  }
0x58: {  	_ =	shalt  }
0x59: {  	_ =	shalt  }
0x5a: {  	_ =	shalt  }
0x5b: {  	_ =	shalt  }
0x5c: {  	_ =	shalt  }
0x5d: {  	_ =	shalt  }
0x5e: {  	_ =	shalt  }
0x5f: {  	_ =	shalt  }
0x60: {  	_ =	shalt  }
0x61: {  	_ =	shalt  }
0x62: {  	_ =	shalt  }
0x63: {  	_ =	shalt  }
0x64: {  	_ =	shalt  }
0x65: {  	_ =	shalt  }
0x66: {  	_ =	shalt  }
0x67: {  	_ =	shalt  }
0x68: {  	_ =	shalt  }
0x69: {  	_ =	shalt  }
0x6a: {  	_ =	shalt  }
0x6b: {  	_ =	shalt  }
0x6c: {  	_ =	shalt  }
0x6d: {  	_ =	shalt  }
0x6e: {  	_ =	shalt  }
0x6f: {  	_ =	shalt  }
0x70: {  	_ =	shalt  }
0x71: {  	_ =	shalt  }
0x72: {  	_ =	shalt  }
0x73: {  	_ =	shalt  }
0x74: {  	_ =	shalt  }
0x75: {  	_ =	shalt  }
0x76: {  	_ =	shalt  }
0x77: {  	_ =	shalt  }
0x78: {  	_ =	shalt  }
0x79: {  	_ =	shalt  }
0x7a: {  	_ =	shalt  }
0x7b: {  	_ =	shalt  }
0x7c: {  	_ =	shalt  }
0x7d: {  	_ =	shalt  }
0x7e: {  	_ =	shalt  }
0x7f: {  	_ =	shalt  }
0x80: {  	_ =	shalt  }
0x81: {  	_ =	shalt  }
0x82: {  	_ =	shalt  }
0x83: {  	_ =	shalt  }
0x84: {  	_ =	shalt  }
0x85: {  	_ =	shalt  }
0x86: {  	_ =	shalt  }
0x87: {  	_ =	shalt  }
.Lfunc_end0:
.L_simem_size_0:
called_computation_lowered:
.L_overlay_start_0:
0x88: {  	s2 =	sld [smem:$0x3FD9]  }
0x89: {  	s3 =	sld [smem:$0x3FFE];
	_ =	sdelay $0x1  }
0x8a: {  	s1 =	srdreg.scid  }
0x8b: {  	s0 =	sand.u32 $0x1, s1  }
0x8c: {  	s17 =	sshll.u32 s0, $0xA;
	s2 =	sadd.s32 s3, s2  }
0x8d: {  	s2 =	sadd.s32 s2, s17  }
0x8e: {  	[smem:$0x3FC6] =	sst s2  }
0x8f: {  	_ = 	snop  }
0x90: {  	s2 =	sld [smem:$0x3FC8]  }
0x91: {  	s18 =	sld [smem:$0x3FD0];
	(tm) =	ssettm $0x1  }
0x92: {  	s4 =	sld [smem:$0x3FFB];
	_ =	sdelay $0x3  }
0x93: {  	_ =	strace s4  }
0x94: {  	s4 =	sld [smem:$0x3FFC];
	_ =	sdelay $0x3  }
0x95: {  	_ =	strace s4  }
0x96: {  	s4 =	sld [smem:$0x3FFD];
	_ =	sdelay $0x3  }
0x97: {  	_ =	strace s4  }
0x98: {  	_ =	strace $0x8FFFFFFF  }
0x99: {  	s19 =	sld [smem:$0x3FDB];
	_ =	sdelay $0x1  }
0x9a: {  	s5 =	simm.s32 $_scs_section_size  }
0x9b: {  	s6 =	simm.s32 $_size__tile_overlayer_lowered;
	s7 =	simm.s32 $_tile_overlayer_lowered  }
0x9c: {  	s22 =	simm.s32 $0x1BFF;
	s21 =	sshll.u32 s7, $0x1;
	s4 =	sadd.s32 s5, s19  }
0x9d: {  	s8 =	simm.s32 $0x0;
	s20 =	sshll.u32 s6, $0x1;
	s6 =	sadd.s32 s21, s4  }
0x9e: {  	[timem:s8], [sflag:s22] =	dma.local [hbm:s6], s20  }
0x9f: {  	_ =	swait.ge [sflag:s22], s20  }
0xa0: {  	s5 =	ssub.s32 $0x0, s20;
	[sflag:s22] =	ssyncset.done $0x0  }
0xa1: {  	[sflag:s22] =	ssyncadd.s32 s5;
	_ =	sdelay $0x1  }
0xa2: {  	s23 =	simm.s32 $0x1B8B  }
0xa3: {  	_ =	swait.ge [sflag:s23], $0x1  }
0xa4: {  	[sflag:s23] =	ssyncset.done $0x0  }
0xa5: {  	s25 =	simm.s32 $0x1B8E;
	s24 =	sld [smem:$0x3FFE];
	[sflag:s23] =	ssyncadd.s32 $0xFFFFFFFF  }
0xa6: {  	s26 =	simm.s32 $execute0_lowered;
	[smem:$0x3FD2] =	sst s25  }
0xa7: {  	s6 =	sshll.u32 s26, $0x1;
	_ =	strace $0x80000046;
	[dreg:$0x1] =	wrdreg $0xFFFFFFFF  }
0xa8: {  	s28 =	simm.s32 $_size_execute0_lowered;
	s4 =	sadd.s32 s4, s6;
	[dreg:$0x0] =	wrdreg $0x0  }
0xa9: {  	s6 =	sshll.u32 s28, $0x1;
	[dreg:$0x2] =	wrdreg s4  }
0xaa: {  	[dreg:$0x3] =	wrdreg s6  }
0xab: {  	[dreg:$0x4] =	wrdreg $0xC0  }
0xac: {  	_ =	task [dreg:s8], $0x5FFFF  }
0xad: {  	[dreg:$0x1] =	wrdreg $0xFFFFFFFF  }
0xae: {  	[dreg:$0x0] =	wrdreg $0x60  }
0xaf: {  	[dreg:$0x2] =	wrdreg s2  }
0xb0: {  	[dreg:$0x3] =	wrdreg s24  }
0xb1: {  	[dreg:$0x4] =	wrdreg s18  }
0xb2: {  	[dreg:$0x5] =	wrdreg $0x9  }
0xb3: {  	_ =	task.clear_ibuf [dreg:s8], $0x6FFFF;
	_ =	strace $0x90000046  }
0xb4: {  	s29 =	simm.s32 $0x9;
	_ =	strace $0x80000048  }
0xb5: {  	_ =	swait.ge [sflag:s29], $0x1  }
0xb6: {  	[sflag:s29] =	ssyncadd.s32 $0xFFFFFFFF  }
0xb7: {  	_ =	strace $0x90000048  }
0xb8: {  	_ =	sfence  }
0xb9: {  	s30 =	sld [smem:$0x0];
	_ =	sdelay $0x2  }
0xba: {  	s31 =	sshll.u32 s1, $0xD;
	s1 =	sshrl.u32 s1, $0x2  }
0xbb: {  	s3 =	sand.u32 $0x4000, s31;
	s1 =	sadd.s32 s1, s30  }
0xbc: {  	s0 =	sor.u32 s3, s0;
	s1 =	sshll.u32 s1, $0x11  }
0xbd: {  	s0 =	sor.u32 s1, s0  }
0xbe: {  	s0 =	sadd.s32 $0x8F2B, s0  }
0xbf: {  	[sflag:s0] =	ssyncadd.remote.s32 $0x1  }
0xc0: {  	_ =	sfence.sel $0xFFFF  }
0xc1: {  	[dreg:$0x0] =	wrdreg $0xFFFFFFFF;
	(pc) =	sbr.abs _section_cstart, $3  }
0xc2: {  	[dreg:$0x1] =	wrdreg $0xFFFFFFFF  }
0xc3: {  	_ =	task.clear_ibuf [dreg:s8], $0x2FFFF;
	_ =	strace $0x9FFFFFFF  }
0xc4: {  	(tm) =	ssettm $0x7FFFFFFF  }
0xc5: {  	_ =	shalt  }
tec
execute0_lowered:
.L_overlay_start_1:
0x0: {  	(tag) =	ssettag $0x1  }
0x1: {  	s1 =	rddreg [dreg:$0x0];
	s0 =	srdreg.scid  }
0x2: {  	s10 =	stileid.u32;
	s3 =	rddreg [dreg:$0x1]  }
0x3: {  	s2 =	rddreg [dreg:$0x2];
	s11 =	simm.s32 $0xA400;
	s14 =	simm.s32 $0x12400  }
0x4: {  	s15 =	simm.s32 $0x1;
	s16 =	simm.s32 $0x16400;
	s17 =	simm.s32 $0x2  }
0x5: {  	s18 =	simm.s32 $0x4;
	s19 =	simm.s32 $0x5;
	s7 =	smul.u32 $0x640000, s10  }
0x6: {  	s0 =	sand.u32 $0x1, s0;
	s4 =	sshll.u32 s10, $0x1;
	s26 =	smul.u32 $0xC8000, s10  }
0x7: {  	s23 =	simm.s32 $0x9;
	s5 =	sor.u32 s0, s4;
	s9 =	smul.u32 $0x320000, s0  }
0x8: {  	s24 =	simm.s32 $0xA;
	s10 =	simm.s32 $0x6400;
	s6 =	smul.u32 $0x6400, s5  }
0x9: {  	s4 =	simm.s32 $0x0;
	s8 =	ssub.s32 $0x2, s0;
	s5 =	smul.u32 $0x64000, s5  }
0xa: {  	s0 =	smul.u32 $0x64000, s0;
	[smem:$0x7FF] =	sst s4;
	s25 =	sshrl.u32 s8, $0x1  }
0xb: {  	_ =	strace $0x80000047;
	s7 =	sadd.s32 s9, s7;
	s5 =	sadd.s32 s2, s5  }
0xc: {  	s6 =	sshrl.u32 s6, $0x3;
	s28 =	sor.u32 $0x10000, s7;
	s5 =	sadd.s32 $0x62800, s5  }
0xd: {  	s7 =	sor.u32 $0xC000, s7;
	s29 =	sshrl.u32 s28, $0x3;
	[dreg:$0x4] =	wrdreg s5  }
0xe: {  	s3 =	sadd.s32 s6, s3;
	s30 =	sshrl.u32 s7, $0x3;
	[dreg:$0x6] =	wrdreg s29  }
0xf: {  	s6 =	ssub.s32 s8, s25;
	s3 =	sadd.s32 $0x400, s3;
	[dreg:$0x5] =	wrdreg s30  }
0x10: {  	s9 =	simm.s32 $0x80;
	s31 =	smax.u32 s6, $0x1;
	[dreg:$0x7] =	wrdreg s3  }
0x11: {  	s7 =	sadd.s32 s0, s26;
	s25 =	simm.s32 $0x0;
	[dreg:$0x8] =	wrdreg s31  }
.LBB2_1:
0x12: {  	s0 =	rddreg [dreg:$0x7];
	s20 =	simm.s32 $0xB  }
0x13: {  	[tilespmem:s4], [sflag:$0xB] =	stream.linear.gather [hbm4b:s0+s4], $0x6400, $0x38;
	[tilespmem:$0x1A400] =	vst v63  }
0x14: {  	_ =	swait.ge [sflag:s20], $0x6400  }
0x15: {  	[sflag:s20] =	ssyncset.done $0x0  }
0x16: {  	p0 =	por $0x1, $0x1;
	[sflag:s20] =	ssyncadd.s32 $0xFFFF9C00  }
0x17: {  	[tilespmem:s10], [sflag:$0x1] =	stream.indirect.gather [hbm4b:s1+s9], $0x80, s4, s9, $0xb8;
	[tilespmem:$0x1A400] =	vst v63  }
0x18: {  	p1 =	por p0, p0  }
0x19: {  	[tilespmem:s11], [sflag:$0x2] =	stream.indirect.gather [hbm4b:s1+s9], $0x80, s9, s9, $0xb8;
	[tilespmem:$0x1A400] =	vst v63  }
0x1a: {  	s21 =	simm.s32 $0x100;
	s3 =	simm.s32 $0xE400;
	s0 =	simm.s32 @!p1 $0x9  }
0x1b: {  	[tilespmem:s3], [sflag:$0x3] =	stream.indirect.gather [hbm4b:s1+s9], $0x80, s21, s9, $0xb8;
	[tilespmem:$0x1A400] =	vst v63  }
0x1c: {  	_ =	swait.ge @!p1 [sflag:s0], $0x4000  }
0x1d: {  	s3 =	simm.s32 @!p0 $0x180;
	[sflag:s0] =	ssyncset.done @!p1 $0x0  }
0x1e: {  	s3 =	simm.s32 @p0 $0x180;
	[sflag:s0] =	ssyncadd.s32 @!p1 $0xFFFFC000  }
0x1f: {  	[tilespmem:s14], [sflag:$0x4] =	stream.indirect.gather [hbm4b:s1+s9], $0x80, s3, s9, $0xb8;
	[tilespmem:$0x1A400] =	vst v63  }
0x20: {  	_ =	swait.ge [sflag:s15], $0x4000  }
0x21: {  	[sflag:s15] =	ssyncset.done $0x0  }
0x22: {  	s22 =	sadd.s32 s2, s7;
	s3 =	simm.s32 @!p1 $0xA;
	[sflag:s15] =	ssyncadd.s32 $0xFFFFC000  }
0x23: {  	[hbm4b:s22+s4] =	stream.linear.scatter [tilespmem:s10], [sflag:$0x6], $0x4000, $0x38;
	[tilespmem:$0x1A400] =	vst v63  }
0x24: {  	_ =	swait.ge @!p1 [sflag:s3], $0x4000  }
0x25: {  	s12 =	simm.s32 @!p0 $0x200;
	[sflag:s3] =	ssyncset.done @!p1 $0x0  }
0x26: {  	s12 =	simm.s32 @p0 $0x200;
	[sflag:s3] =	ssyncadd.s32 @!p1 $0xFFFFC000  }
0x27: {  	[tilespmem:s16], [sflag:$0x5] =	stream.indirect.gather [hbm4b:s1+s9], $0x80, s12, s9, $0xb8;
	[tilespmem:$0x1A400] =	vst v63  }
0x28: {  	_ =	swait.ge [sflag:s17], $0x4000  }
0x29: {  	[sflag:s17] =	ssyncset.done $0x0  }
0x2a: {  	p0 =	por $0x0, $0x0;
	s0 =	sadd.s32 $0x800, s22;
	[sflag:s17] =	ssyncadd.s32 $0xFFFFC000  }
0x2b: {  	[hbm4b:s0+s4] =	stream.linear.scatter [tilespmem:s11], [sflag:$0x7], $0x4000, $0x38;
	[tilespmem:$0x1A400] =	vst v63  }
0x2c: {  	s0 =	simm.s32 @p0 $0x3  }
0x2d: {  	_ =	swait.ge @p0 [sflag:s0], $0x4000  }
0x2e: {  	s26 =	simm.s32 @!p0 $0x6;
	s12 =	simm.s32 @p0 $0xE400;
	[sflag:s0] =	ssyncset.done @p0 $0x0  }
0x2f: {  	s3 =	rddreg [dreg:$0x4];
	[sflag:s0] =	ssyncadd.s32 @p0 $0xFFFFC000;
	s0 =	simm.s32 @p0 $0x0  }
0x30: {  	[hbm4b:s3+s0] =	stream.linear.scatter @p0 [tilespmem:s12], [sflag:$0x8], $0x4000, $0x38;
	[tilespmem:$0x1A400] =	vst v63  }
0x31: {  	_ =	swait.ge @!p0 [sflag:s26], $0x4000  }
0x32: {  	s0 =	simm.s32 @!p0 $0x280;
	s3 =	simm.s32 @!p0 $0x80;
	[sflag:s26] =	ssyncset.done @!p0 $0x0  }
0x33: {  	s12 =	simm.s32 @!p0 $0x6400;
	[sflag:s26] =	ssyncadd.s32 @!p0 $0xFFFFC000;
	s26 =	simm.s32 @!p0 $0x3  }
0x34: {  	[tilespmem:s12], [sflag:$0x1] =	stream.indirect.gather @!p0 [hbm4b:s1+s3], $0x80, s0, s3, $0xb8;
	[tilespmem:$0x1A400] =	vst v63  }
0x35: {  	s13 =	simm.s32 @!p0 $0xE400;
	_ =	swait.ge @!p0 [sflag:s26], $0x4000  }
0x36: {  	s0 =	sadd.s32 @!p0 s2, s7;
	s12 =	simm.s32 @!p0 $0x0;
	[sflag:s26] =	ssyncset.done @!p0 $0x0  }
0x37: {  	s0 =	sadd.s32 @!p0 $0x1000, s0;
	[sflag:s26] =	ssyncadd.s32 @!p0 $0xFFFFC000;
	s26 =	simm.s32 @!p0 $0x7  }
0x38: {  	[hbm4b:s0+s12] =	stream.linear.scatter @!p0 [tilespmem:s13], [sflag:$0x8], $0x4000, $0x38;
	[tilespmem:$0x1A400] =	vst v63  }
0x39: {  	_ =	swait.ge @!p0 [sflag:s26], $0x4000  }
0x3a: {  	[sflag:s26] =	ssyncset.done @!p0 $0x0  }
0x3b: {  	s0 =	simm.s32 @!p0 $0x300;
	s12 =	simm.s32 @!p0 $0xA400;
	[sflag:s26] =	ssyncadd.s32 @!p0 $0xFFFFC000  }
0x3c: {  	[tilespmem:s12], [sflag:$0x2] =	stream.indirect.gather @!p0 [hbm4b:s1+s3], $0x80, s0, s3, $0xb8;
	[tilespmem:$0x1A400] =	vst v63  }
0x3d: {  	_ =	swait.ge [sflag:s18], $0x4000  }
0x3e: {  	s28 =	simm.s32 $0xA00;
	s26 =	rddreg [dreg:$0x5];
	[sflag:s18] =	ssyncset.done $0x0  }
0x3f: {  	s12 =	simm.s32 @!p0 $0x8;
	[sflag:s18] =	ssyncadd.s32 $0xFFFFC000;
	s0 =	sadd.s32 s2, s26  }
0x40: {  	[hbm4b:s0+s4] =	stream.linear.scatter [tilespmem:s14], [sflag:$0x9], $0x4000, $0x38;
	[tilespmem:$0x1A400] =	vst v63  }
0x41: {  	s31 =	simm.s32 $0x1400;
	p1 =	por $0x0, $0x0;
	_ =	swait.ge @!p0 [sflag:s12], $0x4000  }
0x42: {  	s30 =	simm.s32 @!p1 $0x400;
	s29 =	simm.s32 @!p1 $0x480;
	[sflag:s12] =	ssyncset.done @!p0 $0x0  }
0x43: {  	s30 =	simm.s32 @p1 $0x180;
	s0 =	simm.s32 @!p0 $0x380;
	[sflag:s12] =	ssyncadd.s32 @!p0 $0xFFFFC000  }
0x44: {  	[tilespmem:s13], [sflag:$0x3] =	stream.indirect.gather @!p0 [hbm4b:s1+s3], $0x80, s0, s3, $0xb8;
	[tilespmem:$0x1A400] =	vst v63  }
0x45: {  	s29 =	simm.s32 @p1 $0x200;
	s26 =	sadd.s32 $0x2800, s2;
	_ =	swait.ge [sflag:s19], $0x4000  }
0x46: {  	p0 =	por p1, p1;
	s3 =	smov.u32 s2;
	[sflag:s19] =	ssyncset.done $0x0  }
0x47: {  	s12 =	simm.s32 @!p0 $0x9;
	s0 =	rddreg [dreg:$0x6];
	[sflag:s19] =	ssyncadd.s32 $0xFFFFC000  }
.LBB2_2:
0x48: {  	s13 =	sadd.s32 s3, s0  }
0x49: {  	[hbm4b:s13+s4] =	stream.linear.scatter [tilespmem:s16], [sflag:$0xA], $0x4000, $0x38;
	[tilespmem:$0x1A400] =	vst v63  }
0x4a: {  	_ =	swait.ge @!p0 [sflag:s12], $0x4000  }
0x4b: {  	[sflag:s12] =	ssyncset.done @!p0 $0x0  }
0x4c: {  	[sflag:s12] =	ssyncadd.s32 @!p0 $0xFFFFC000  }
0x4d: {  	[tilespmem:s14], [sflag:$0x4] =	stream.indirect.gather [hbm4b:s1+s9], $0x80, s30, s9, $0xb8;
	[tilespmem:$0x1A400] =	vst v63  }
0x4e: {  	_ =	swait.ge [sflag:s15], $0x4000  }
0x4f: {  	[sflag:s15] =	ssyncset.done $0x0  }
0x50: {  	s21 =	sadd.s32 s26, s7;
	s12 =	simm.s32 @!p0 $0xA;
	[sflag:s15] =	ssyncadd.s32 $0xFFFFC000  }
0x51: {  	[hbm4b:s21+s4] =	stream.linear.scatter [tilespmem:s10], [sflag:$0x6], $0x4000, $0x38;
	[tilespmem:$0x1A400] =	vst v63  }
0x52: {  	p2 =	seq.s32 s31, $0x0;
	s0 =	smov.u32 s31;
	_ =	swait.ge @!p0 [sflag:s12], $0x4000  }
0x53: {  	s13 =	sshra.s32 @!p2 s0, $0x2;
	[sflag:s12] =	ssyncset.done @!p0 $0x0  }
0x54: {  	s5 =	sadd.s32 @!p2 $0x180, s13;
	s13 =	sadd.s32 @!p2 $0x200, s13;
	[sflag:s12] =	ssyncadd.s32 @!p0 $0xFFFFC000  }
0x55: {  	[tilespmem:s16], [sflag:$0x5] =	stream.indirect.gather [hbm4b:s1+s9], $0x80, s29, s9, $0xb8;
	[tilespmem:$0x1A400] =	vst v63  }
0x56: {  	s5 =	simm.s32 @p2 $0x180;
	s13 =	simm.s32 @p2 $0x200;
	_ =	swait.ge [sflag:s17], $0x4000  }
0x57: {  	s30 =	smov.u32 s5;
	s5 =	sadd.s32 $0x800, s21;
	[sflag:s17] =	ssyncset.done $0x0  }
0x58: {  	p0 =	por p2, p2;
	p2 =	seq.s32 s28, $0x18600;
	[sflag:s17] =	ssyncadd.s32 $0xFFFFC000  }
0x59: {  	[hbm4b:s5+s4] =	stream.linear.scatter [tilespmem:s11], [sflag:$0x7], $0x4000, $0x38;
	[tilespmem:$0x1A400] =	vst v63  }
0x5a: {  	s5 =	simm.s32 @p2 $0x3  }
0x5b: {  	_ =	swait.ge @p2 [sflag:s5], $0x4000  }
0x5c: {  	s21 =	simm.s32 @p2 $0xE400;
	s22 =	simm.s32 @!p2 $0x6;
	[sflag:s5] =	ssyncset.done @p2 $0x0  }
0x5d: {  	s8 =	rddreg [dreg:$0x4];
	[sflag:s5] =	ssyncadd.s32 @p2 $0xFFFFC000;
	s5 =	simm.s32 @p2 $0x0  }
0x5e: {  	[hbm4b:s8+s5] =	stream.linear.scatter @p2 [tilespmem:s21], [sflag:$0x8], $0x4000, $0x38;
	[tilespmem:$0x1A400] =	vst v63  }
0x5f: {  	s12 =	sshra.s32 @!p2 s28, $0x2;
	s28 =	smov.u32 s0;
	_ =	swait.ge @!p2 [sflag:s22], $0x4000  }
0x60: {  	s0 =	simm.s32 @!p2 $0x80;
	s6 =	sadd.s32 @!p2 $0x280, s12;
	[sflag:s22] =	ssyncset.done @!p2 $0x0  }
0x61: {  	s5 =	simm.s32 @!p2 $0x6400;
	s8 =	simm.s32 @!p2 $0x3;
	[sflag:s22] =	ssyncadd.s32 @!p2 $0xFFFFC000  }
0x62: {  	[tilespmem:s5], [sflag:$0x1] =	stream.indirect.gather @!p2 [hbm4b:s1+s0], $0x80, s6, s0, $0xb8;
	[tilespmem:$0x1A400] =	vst v63  }
0x63: {  	s29 =	smov.u32 s13;
	s13 =	sadd.s32 @!p2 s26, s7;
	_ =	swait.ge @!p2 [sflag:s8], $0x4000  }
0x64: {  	s13 =	sadd.s32 @!p2 $0x1000, s13;
	s5 =	simm.s32 @!p2 $0x0;
	[sflag:s8] =	ssyncset.done @!p2 $0x0  }
0x65: {  	s6 =	simm.s32 @!p2 $0xE400;
	[sflag:s8] =	ssyncadd.s32 @!p2 $0xFFFFC000;
	s8 =	simm.s32 @!p2 $0x7  }
0x66: {  	[hbm4b:s13+s5] =	stream.linear.scatter @!p2 [tilespmem:s6], [sflag:$0x8], $0x4000, $0x38;
	[tilespmem:$0x1A400] =	vst v63  }
0x67: {  	_ =	swait.ge @!p2 [sflag:s8], $0x4000  }
0x68: {  	[sflag:s8] =	ssyncset.done @!p2 $0x0  }
0x69: {  	s20 =	sadd.s32 @!p2 $0x300, s12;
	s5 =	simm.s32 @!p2 $0xA400;
	[sflag:s8] =	ssyncadd.s32 @!p2 $0xFFFFC000  }
0x6a: {  	[tilespmem:s5], [sflag:$0x2] =	stream.indirect.gather @!p2 [hbm4b:s1+s0], $0x80, s20, s0, $0xb8;
	[tilespmem:$0x1A400] =	vst v63  }
0x6b: {  	_ =	swait.ge [sflag:s18], $0x4000  }
0x6c: {  	s22 =	rddreg [dreg:$0x5];
	[sflag:s18] =	ssyncset.done $0x0  }
0x6d: {  	s8 =	simm.s32 @!p2 $0x8;
	[sflag:s18] =	ssyncadd.s32 $0xFFFFC000;
	s5 =	sadd.s32 s26, s22  }
0x6e: {  	[hbm4b:s5+s4] =	stream.linear.scatter [tilespmem:s14], [sflag:$0x9], $0x4000, $0x38;
	[tilespmem:$0x1A400] =	vst v63  }
0x6f: {  	s31 =	sadd.s32 $0xA00, s31;
	_ =	swait.ge @!p2 [sflag:s8], $0x4000  }
0x70: {  	p1 =	sne.s32 s31, $0x19000;
	[sflag:s8] =	ssyncset.done @!p2 $0x0  }
.Ltmp0:
0x71: {  	s12 =	sadd.s32 @!p2 $0x380, s12;
	[sflag:s8] =	ssyncadd.s32 @!p2 $0xFFFFC000;
	(pc) =	sbr.rel @p1 .LBB2_2-.Ltmp0, $4  }
0x72: {  	[tilespmem:s6], [sflag:$0x3] =	stream.indirect.gather @!p2 [hbm4b:s1+s0], $0x80, s12, s0, $0xb8;
	[tilespmem:$0x1A400] =	vst v63  }
0x73: {  	_ =	swait.ge [sflag:s19], $0x4000  }
0x74: {  	s3 =	smov.u32 s26;
	s26 =	sadd.s32 $0x2800, s26;
	[sflag:s19] =	ssyncset.done $0x0  }
0x75: {  	s12 =	simm.s32 @!p0 $0x9;
	s0 =	rddreg [dreg:$0x6];
	[sflag:s19] =	ssyncadd.s32 $0xFFFFC000  }
0x76: {  	s0 =	sadd.s32 s3, s0  }
0x77: {  	[hbm4b:s0+s4] =	stream.linear.scatter [tilespmem:s16], [sflag:$0xA], $0x4000, $0x38;
	[tilespmem:$0x1A400] =	vst v63  }
0x78: {  	_ =	swait.ge @!p0 [sflag:s12], $0x4000  }
0x79: {  	[sflag:s12] =	ssyncset.done @!p0 $0x0  }
0x7a: {  	[sflag:s12] =	ssyncadd.s32 @!p0 $0xFFFFC000  }
0x7b: {  	[tilespmem:s14], [sflag:$0x4] =	stream.indirect.gather [hbm4b:s1+s9], $0x80, s30, s9, $0xb8;
	[tilespmem:$0x1A400] =	vst v63  }
0x7c: {  	_ =	swait.ge [sflag:s15], $0x4000  }
0x7d: {  	[sflag:s15] =	ssyncset.done $0x0  }
0x7e: {  	s20 =	sadd.s32 s26, s7;
	s3 =	simm.s32 @!p0 $0xA;
	[sflag:s15] =	ssyncadd.s32 $0xFFFFC000  }
0x7f: {  	[hbm4b:s20+s4] =	stream.linear.scatter [tilespmem:s10], [sflag:$0x6], $0x4000, $0x38;
	[tilespmem:$0x1A400] =	vst v63  }
0x80: {  	_ =	swait.ge @!p0 [sflag:s3], $0x4000  }
0x81: {  	[sflag:s3] =	ssyncset.done @!p0 $0x0  }
0x82: {  	[sflag:s3] =	ssyncadd.s32 @!p0 $0xFFFFC000  }
0x83: {  	[tilespmem:s16], [sflag:$0x5] =	stream.indirect.gather [hbm4b:s1+s9], $0x80, s29, s9, $0xb8;
	[tilespmem:$0x1A400] =	vst v63  }
0x84: {  	_ =	swait.ge [sflag:s17], $0x4000  }
0x85: {  	[sflag:s17] =	ssyncset.done $0x0  }
0x86: {  	s0 =	sadd.s32 $0x800, s20;
	p0 =	seq.s32 s28, $0x18600;
	[sflag:s17] =	ssyncadd.s32 $0xFFFFC000  }
0x87: {  	[hbm4b:s0+s4] =	stream.linear.scatter [tilespmem:s11], [sflag:$0x7], $0x4000, $0x38;
	[tilespmem:$0x1A400] =	vst v63  }
0x88: {  	s0 =	simm.s32 @p0 $0x3  }
0x89: {  	_ =	swait.ge @p0 [sflag:s0], $0x4000  }
0x8a: {  	s5 =	simm.s32 @p0 $0xE400;
	s6 =	simm.s32 @!p0 $0x6;
	[sflag:s0] =	ssyncset.done @p0 $0x0  }
0x8b: {  	s3 =	rddreg [dreg:$0x4];
	[sflag:s0] =	ssyncadd.s32 @p0 $0xFFFFC000;
	s0 =	simm.s32 @p0 $0x0  }
0x8c: {  	[hbm4b:s3+s0] =	stream.linear.scatter @p0 [tilespmem:s5], [sflag:$0x8], $0x4000, $0x38;
	[tilespmem:$0x1A400] =	vst v63  }
0x8d: {  	s8 =	simm.s32 @!p0 $0x6400;
	_ =	swait.ge @!p0 [sflag:s6], $0x4000  }
0x8e: {  	s0 =	sshra.s32 @!p0 s28, $0x2;
	s5 =	simm.s32 @!p0 $0x80;
	[sflag:s6] =	ssyncset.done @!p0 $0x0  }
0x8f: {  	s3 =	sadd.s32 @!p0 $0x280, s0;
	[sflag:s6] =	ssyncadd.s32 @!p0 $0xFFFFC000;
	s6 =	simm.s32 @!p0 $0x3  }
0x90: {  	[tilespmem:s8], [sflag:$0x1] =	stream.indirect.gather @!p0 [hbm4b:s1+s5], $0x80, s3, s5, $0xb8;
	[tilespmem:$0x1A400] =	vst v63  }
0x91: {  	_ =	swait.ge @!p0 [sflag:s6], $0x4000  }
0x92: {  	s3 =	sadd.s32 @!p0 s26, s7;
	s8 =	simm.s32 @!p0 $0x0;
	[sflag:s6] =	ssyncset.done @!p0 $0x0  }
0x93: {  	s3 =	sadd.s32 @!p0 $0x1000, s3;
	[sflag:s6] =	ssyncadd.s32 @!p0 $0xFFFFC000;
	s6 =	simm.s32 @!p0 $0xE400  }
0x94: {  	[hbm4b:s3+s8] =	stream.linear.scatter @!p0 [tilespmem:s6], [sflag:$0x8], $0x4000, $0x38;
	[tilespmem:$0x1A400] =	vst v63  }
0x95: {  	s3 =	simm.s32 @!p0 $0x7  }
0x96: {  	_ =	swait.ge @!p0 [sflag:s3], $0x4000  }
0x97: {  	[sflag:s3] =	ssyncset.done @!p0 $0x0  }
0x98: {  	s8 =	sadd.s32 @!p0 $0x300, s0;
	[sflag:s3] =	ssyncadd.s32 @!p0 $0xFFFFC000;
	s3 =	simm.s32 @!p0 $0xA400  }
0x99: {  	[tilespmem:s3], [sflag:$0x2] =	stream.indirect.gather @!p0 [hbm4b:s1+s5], $0x80, s8, s5, $0xb8;
	[tilespmem:$0x1A400] =	vst v63  }
0x9a: {  	_ =	swait.ge [sflag:s18], $0x4000  }
0x9b: {  	s21 =	rddreg [dreg:$0x5];
	[sflag:s18] =	ssyncset.done $0x0  }
0x9c: {  	[sflag:s18] =	ssyncadd.s32 $0xFFFFC000;
	s3 =	sadd.s32 s26, s21  }
0x9d: {  	[hbm4b:s3+s4] =	stream.linear.scatter [tilespmem:s14], [sflag:$0x9], $0x4000, $0x38;
	[tilespmem:$0x1A400] =	vst v63  }
0x9e: {  	s3 =	simm.s32 @!p0 $0x8  }
0x9f: {  	_ =	swait.ge @!p0 [sflag:s3], $0x4000  }
0xa0: {  	[sflag:s3] =	ssyncset.done @!p0 $0x0  }
0xa1: {  	s0 =	sadd.s32 @!p0 $0x380, s0;
	[sflag:s3] =	ssyncadd.s32 @!p0 $0xFFFFC000  }
0xa2: {  	[tilespmem:s6], [sflag:$0x3] =	stream.indirect.gather @!p0 [hbm4b:s1+s5], $0x80, s0, s5, $0xb8;
	[tilespmem:$0x1A400] =	vst v63  }
0xa3: {  	_ =	swait.ge [sflag:s19], $0x4000  }
0xa4: {  	s22 =	rddreg [dreg:$0x6];
	[sflag:s19] =	ssyncset.done $0x0  }
0xa5: {  	s28 =	simm.s32 $0x6;
	s0 =	sadd.s32 s26, s22;
	[sflag:s19] =	ssyncadd.s32 $0xFFFFC000  }
0xa6: {  	[hbm4b:s0+s4] =	stream.linear.scatter [tilespmem:s16], [sflag:$0xA], $0x4000, $0x38;
	[tilespmem:$0x1A400] =	vst v63  }
0xa7: {  	_ =	swait.ge [sflag:s28], $0x4000  }
0xa8: {  	[sflag:s28] =	ssyncset.done $0x0  }
0xa9: {  	s29 =	simm.s32 $0x7;
	[sflag:s28] =	ssyncadd.s32 $0xFFFFC000  }
0xaa: {  	_ =	swait.ge [sflag:s29], $0x4000  }
0xab: {  	[sflag:s29] =	ssyncset.done $0x0  }
0xac: {  	s30 =	simm.s32 $0x8;
	[sflag:s29] =	ssyncadd.s32 $0xFFFFC000  }
0xad: {  	_ =	swait.ge [sflag:s30], $0x4000  }
0xae: {  	[sflag:s30] =	ssyncset.done $0x0  }
0xaf: {  	[sflag:s30] =	ssyncadd.s32 $0xFFFFC000  }
0xb0: {  	_ =	swait.ge [sflag:s23], $0x4000  }
0xb1: {  	[sflag:s23] =	ssyncset.done $0x0  }
0xb2: {  	[sflag:s23] =	ssyncadd.s32 $0xFFFFC000  }
0xb3: {  	_ =	swait.ge [sflag:s24], $0x4000  }
0xb4: {  	s25 =	sadd.s32 $0x1, s25;
	s31 =	rddreg [dreg:$0x8]  }
0xb5: {  	p0 =	sne.s32 s25, s31  }
.Ltmp1:
0xb6: {  	_ = 	snop;
	(pc) =	sbr.rel @p0 .LBB2_1-.Ltmp1, $3  }
0xb7: {  	_ =	sdelay $0x1  }
0xb8: {  	[sflag:s24] =	ssyncset.done $0x0  }
0xb9: {  	[sflag:s24] =	ssyncadd.s32 $0xFFFFC000  }
0xba: {  	_ =	sfence.sel $0x180000  }
0xbb: {  	[bflag:$0x0] =	sbarrier.arrive $0xFFFF  }
0xbc: {  	_ =	strace $0x90000047  }
0xbd: {  	s0 =	stileid.u32;
	[bflag:$0x2] =	sbarrier.arrive $0xFFFF  }
0xbe: {  	p0 =	sne.s32 s0, $0x0;
	s0 =	rddreg [dreg:$0x3]  }
0xbf: {  	s0 =	sadd.s32 @!p0 $0x100000, s0  }
0xc0: {  	[sflag:s0] =	ssyncadd.tile.s32 @!p0 $0x1;
	_ =	shalt  }
.Lfunc_end2:
_tile_overlayer_lowered:
.L_overlay_start_2:
0xc1: {  	(tag) =	ssettag $0x2  }
0xc2: {  	s0 =	rddreg [dreg:$0x0];
	s2 =	stileid.u32  }
0xc3: {  	s1 =	rddreg [dreg:$0x1];
	p0 =	sne.s32 s2, $0x0  }
0xc4: {  	s3 =	rddreg [dreg:$0x2];
	[bflag:$0x3] =	sbarrier.arrive $0xFFFF;
	s2 =	simm.s32 @!p0 $0x1C0B  }
0xc5: {  	[timem:s3], [sflag:s2] =	dma.local @!p0 [hbm:s0], s1  }
0xc6: {  	s0 =	simm.s32 @!p0 $0xB  }
0xc7: {  	_ =	swait.ge @!p0 [sflag:s0], s1  }
0xc8: {  	s1 =	ssub.s32 @!p0 $0x0, s1;
	[sflag:s0] =	ssyncset.done @!p0 $0x0  }
0xc9: {  	[sflag:s0] =	ssyncadd.s32 @!p0 s1  }
0xca: {  	[bflag:$0x3] =	sbarrier.arrive $0xFFFF  }
0xcb: {  	_ =	shalt  }

</sc_bundles>
